<compile_context>
chip_gen: v7x
topology: tpu7x:2x2x1
jax: 0.10.2.dev20260603
libtpu: 0.0.44.dev20260713+nightly
codegen_flags: <defaults>
</compile_context>

<pallas_src>
import functools

import jax
import jax.numpy as jnp
from jax import lax
from jax.experimental import pallas as pl
from jax.experimental.pallas import tpu as pltpu
from jax.experimental.pallas import tpu_sc as plsc

B = 1024
K = 20
H = 64
NB = 8
BB = B // NB
R_DIFF = BB * K
R_SAME = BB * (K + 1)
R_BLK = R_DIFF + R_SAME
RT = NB * R_BLK

NW = 32
RPT = RT // NW
_CHUNKS = [(i * 128, 128) for i in range(RPT // 128)]
if RPT % 128:
    _CHUNKS.append((RPT - RPT % 128, RPT % 128))


def _sc_gather_body(idx_a, idx_b, tab_a, tab_b, out_a, out_b, idx_v, rows_v, sem):
    wid = lax.axis_index("s") * 2 + lax.axis_index("c")
    base = wid * RPT
    for idx_hbm, tab, out in ((idx_a, tab_a, out_a), (idx_b, tab_b, out_b)):
        pltpu.sync_copy(idx_hbm.at[pl.ds(base, RPT)], idx_v)
        handles = []
        for off, sz in _CHUNKS:
            handles.append(
                pltpu.async_copy(
                    tab.at[idx_v.at[pl.ds(off, sz)]],
                    rows_v.at[pl.ds(off, sz)],
                    sem,
                ))
        for h in handles:
            h.wait()
        pltpu.sync_copy(rows_v, out.at[pl.ds(base, RPT)])


_sc_gather = pl.kernel(
    _sc_gather_body,
    mesh=plsc.VectorSubcoreMesh(core_axis_name="c", subcore_axis_name="s"),
    compiler_params=pltpu.CompilerParams(use_tc_tiling_on_sc=False),
    out_type=[
        jax.ShapeDtypeStruct((RT, H), jnp.float32),
        jax.ShapeDtypeStruct((RT, H), jnp.float32),
    ],
    scratch_types=[
        pltpu.VMEM((RPT,), jnp.int32),
        pltpu.VMEM((RPT, H), jnp.float32),
        pltpu.SemaphoreType.DMA,
    ],
)


def _tc_body(tu, ti, ga, gb, nW1, nW2, gW1, gW2, nb1, nb2, gb1, gb2, out):
    w1t = nW1[:H, :]
    w1e = nW1[H:, :]
    w2 = nW2[...]
    b1 = nb1[0, :]
    b2 = nb2[0, :]

    def node_side(t, e_diff, e_same):
        xd = t[:, :K, :].reshape(R_DIFF, H)
        xs = t[:, K:2 * K + 1, :].reshape(R_SAME, H)
        hd = jnp.maximum(
            jnp.dot(xd, w1t, preferred_element_type=jnp.float32)
            + jnp.dot(e_diff, w1e, preferred_element_type=jnp.float32) + b1, 0.0)
        hd = jnp.maximum(
            jnp.dot(hd, w2, preferred_element_type=jnp.float32) + b2, 0.0)
        hs = jnp.maximum(
            jnp.dot(xs, w1t, preferred_element_type=jnp.float32)
            + jnp.dot(e_same, w1e, preferred_element_type=jnp.float32) + b1, 0.0)
        hs = jnp.maximum(
            jnp.dot(hs, w2, preferred_element_type=jnp.float32) + b2, 0.0)
        hd3 = hd.reshape(BB, K, H)
        hs3 = hs.reshape(BB, K + 1, H)
        this = hs3[:, K, :]
        pref = hd3.sum(axis=1) + hs3.sum(axis=1) - this
        return this, pref

    tu_ = tu[...]
    ti_ = ti[...]
    ga_ = ga[...]
    gb_ = gb[...]
    this_u, pref_u = node_side(tu_, ga_[:R_DIFF, :], gb_[R_DIFF:, :])
    this_i, pref_i = node_side(ti_, gb_[:R_DIFF, :], ga_[R_DIFF:, :])

    g1t = gW1[:H, :]
    g1p = gW1[H:, :]
    g2 = gW2[...]
    c1 = gb1[0, :]
    c2 = gb2[0, :]

    def transform(this, pref):
        h = jnp.maximum(
            jnp.dot(this, g1t, preferred_element_type=jnp.float32)
            + jnp.dot(pref, g1p, preferred_element_type=jnp.float32) + c1, 0.0)
        return jnp.maximum(
            jnp.dot(h, g2, preferred_element_type=jnp.float32) + c2, 0.0)

    u = transform(this_u, pref_u)
    v = transform(this_i, pref_i)
    out[...] = jnp.sum(u * v, axis=1)


def kernel(user_inds, item_inds, user_ne_items, user_ne_users, item_ne_users,
           item_ne_items, user_text_feats, item_text_feats, user_emb, item_emb,
           node_W1, node_b1, node_W2, node_b2, att_W1, att_b1, att_W2, att_b2,
           g_W1, g_b1, g_W2, g_b2):
    ism = jnp.concatenate([item_ne_items, item_inds[:, None]], axis=1)
    usm = jnp.concatenate([user_ne_users, user_inds[:, None]], axis=1)
    idx_a = jnp.concatenate(
        [user_ne_items.reshape(NB, R_DIFF), ism.reshape(NB, R_SAME)],
        axis=1).reshape(RT)
    idx_b = jnp.concatenate(
        [item_ne_users.reshape(NB, R_DIFF), usm.reshape(NB, R_SAME)],
        axis=1).reshape(RT)

    ga, gb = _sc_gather(idx_a, idx_b, item_emb, user_emb)

    wspec = pl.BlockSpec((2 * H, H), lambda i: (0, 0))
    w2spec = pl.BlockSpec((H, H), lambda i: (0, 0))
    bspec = pl.BlockSpec((1, H), lambda i: (0, 0))
    out = pl.pallas_call(
        _tc_body,
        grid=(NB,),
        in_specs=[
            pl.BlockSpec((BB, 3 * K + 1, H), lambda i: (i, 0, 0)),
            pl.BlockSpec((BB, 3 * K + 1, H), lambda i: (i, 0, 0)),
            pl.BlockSpec((R_BLK, H), lambda i: (i, 0)),
            pl.BlockSpec((R_BLK, H), lambda i: (i, 0)),
            wspec, w2spec, wspec, w2spec, bspec, bspec, bspec, bspec,
        ],
        out_specs=pl.BlockSpec((BB,), lambda i: (i,)),
        out_shape=jax.ShapeDtypeStruct((B,), jnp.float32),
        compiler_params=pltpu.CompilerParams(
            dimension_semantics=("arbitrary",)),
    )(user_text_feats, item_text_feats, ga, gb,
      node_W1, node_W2, g_W1, g_W2,
      node_b1.reshape(1, H), node_b2.reshape(1, H),
      g_b1.reshape(1, H), g_b2.reshape(1, H))
    return out

# --- scband reference (transcript-rebuilt; emitter-appended) ---
"""Pipeline reference for scband-gatgraph-24343874633945 (READ-ONLY COPY).

The authoritative reference and input builder live on the scoring server;
editing this copy changes nothing except your own understanding.
"""

import jax, jax.numpy as jnp
import numpy as np

B = 1024
K = 20
H = 64
NU = 100000
NI = 100000

PNAMES = ['node_W1','node_b1','node_W2','node_b2','att_W1','att_b1','att_W2','att_b2','g_W1','g_b1','g_W2','g_b2']


def setup_inputs(seed: int = 0) -> dict:
    key = jax.random.key(seed)
    ks = jax.random.split(key, 20)
    def rn(k, shape, s=0.05):
        return jax.random.normal(k, shape, dtype=jnp.float32) * s
    inp = {
        'user_inds': jax.random.randint(ks[0], (B,), 0, NU),
        'item_inds': jax.random.randint(ks[1], (B,), 0, NI),
        'user_ne_items': jax.random.randint(ks[2], (B, K), 0, NI),
        'user_ne_users': jax.random.randint(ks[3], (B, K), 0, NU),
        'item_ne_users': jax.random.randint(ks[4], (B, K), 0, NU),
        'item_ne_items': jax.random.randint(ks[5], (B, K), 0, NI),
        'user_text_feats': rn(ks[6], (B, 3 * K + 1, H), 0.5),
        'item_text_feats': rn(ks[7], (B, 3 * K + 1, H), 0.5),
        'user_emb': rn(ks[8], (NU, H)),
        'item_emb': rn(ks[9], (NI, H)),
        'node_W1': rn(ks[10], (2 * H, H)), 'node_b1': jnp.zeros((H,), jnp.float32),
        'node_W2': rn(ks[11], (H, H)), 'node_b2': jnp.zeros((H,), jnp.float32),
        'att_W1': rn(ks[12], (3 * H, H)), 'att_b1': jnp.zeros((H,), jnp.float32),
        'att_W2': rn(ks[13], (H, 1)), 'att_b2': jnp.zeros((1,), jnp.float32),
        'g_W1': rn(ks[14], (2 * H, H)), 'g_b1': jnp.zeros((H,), jnp.float32),
        'g_W2': rn(ks[15], (H, H)), 'g_b2': jnp.zeros((H,), jnp.float32),
    }
    return inp


def _node_pref(inds, ne_diff, ne_same, text_feats, diff_table, same_table, p):
    # NodeEncoder: embedding gathers for diff-type and same-type neighbors + self
    Kl = ne_diff.shape[1]
    node_text = text_feats[:, :2 * Kl + 1, :]
    diff_emb = jnp.take(diff_table, ne_diff, axis=0)              # [B, K, H]
    same_all = jnp.concatenate([ne_same, inds[:, None]], axis=1)  # [B, K+1]
    same_emb = jnp.take(same_table, same_all, axis=0)             # [B, K+1, H]
    emb = jnp.concatenate([diff_emb, same_emb], axis=1)           # [B, 2K+1, H]
    h = jax.nn.relu(jnp.concatenate([node_text, emb], axis=-1) @ p['node_W1'] + p['node_b1'])
    h = jax.nn.relu(h @ p['node_W2'] + p['node_b2'])              # [B, 2K+1, H]
    ne = h[:, :2 * Kl, :]
    this = h[:, 2 * Kl, :]
    same_rel = ne[:, Kl:, :] * this[:, None, :]
    diff_rel = text_feats[:, 2 * Kl + 1:, :]                      # review-text encodings
    rel = jnp.concatenate([diff_rel, same_rel], axis=1)           # [B, 2K, H]
    # Attention module
    this_exp = jnp.broadcast_to(this[:, None, :], ne.shape)
    x = jnp.concatenate([this_exp, rel, ne], axis=-1)             # [B, 2K, 3H]
    x = jax.nn.relu(x @ p['att_W1'] + p['att_b1'])
    x = jax.nn.relu(x @ p['att_W2'] + p['att_b2'])                # [B, 2K, 1]
    att = jax.nn.softmax(x, axis=-1)                              # torch softmax(dim=1) on [2K,1]
    pref = jnp.einsum('bk,bkh->bh', att[..., 0], ne)              # att.t() @ ne_nodes
    return jnp.concatenate([this, pref], axis=-1)                 # [B, 2H]


def _transform(x, p):
    h = jax.nn.relu(x @ p['g_W1'] + p['g_b1'])
    return jax.nn.relu(h @ p['g_W2'] + p['g_b2'])


def reference(user_inds, item_inds, user_ne_items, user_ne_users, item_ne_users, item_ne_items,
              user_text_feats, item_text_feats, user_emb, item_emb,
              node_W1, node_b1, node_W2, node_b2, att_W1, att_b1, att_W2, att_b2,
              g_W1, g_b1, g_W2, g_b2):
    p = {'node_W1': node_W1, 'node_b1': node_b1, 'node_W2': node_W2, 'node_b2': node_b2,
         'att_W1': att_W1, 'att_b1': att_b1, 'att_W2': att_W2, 'att_b2': att_b2,
         'g_W1': g_W1, 'g_b1': g_b1, 'g_W2': g_W2, 'g_b2': g_b2}
    users_pref = _node_pref(user_inds, user_ne_items, user_ne_users, user_text_feats, item_emb, user_emb, p)
    items_pref = _node_pref(item_inds, item_ne_users, item_ne_items, item_text_feats, user_emb, item_emb, p)
    u = _transform(users_pref, p)
    i = _transform(items_pref, p)
    return jnp.sum(u * i, axis=-1)  # [B]

if __name__ == "__main__":
    import jax
    _d = setup_inputs()
    print(jax.jit(kernel)(*tuple(_d.values())))

</pallas_src>

<mosaic_0001>
#map = affine_map<(d0, d1) -> (0)>
#map1 = affine_map<(d0, d1) -> (0, 0)>
module attributes {stable_mosaic.version = 14 : i64} {
  func.func @_sc_gather_body(%arg0: i32, %arg1: i32, %arg2: memref<41984xi32, #tpu.memory_space<hbm>>, %arg3: memref<41984xi32, #tpu.memory_space<hbm>>, %arg4: memref<100000x64xf32, #tpu.memory_space<hbm>>, %arg5: memref<100000x64xf32, #tpu.memory_space<hbm>>, %arg6: memref<41984x64xf32, #tpu.memory_space<hbm>>, %arg7: memref<41984x64xf32, #tpu.memory_space<hbm>>, %arg8: memref<1312xi32, #tpu.memory_space<vmem>>, %arg9: memref<1312x64xf32, #tpu.memory_space<vmem>>, %arg10: memref<!tpu.dma_semaphore, #tpu.memory_space<semaphore_mem>>) attributes {dimension_semantics = [#tpu.dimension_semantics<core_parallel>, #tpu.dimension_semantics<subcore_parallel>], iteration_bounds = array<i64: 2, 16>, scalar_prefetch = 0 : i64, scratch_operands = 3 : i64, tpu.core_type = #tpu.core_type<sc_vector_subcore>, window_params = [{transform_indices = #map}, {transform_indices = #map}, {transform_indices = #map1}, {transform_indices = #map1}, {transform_indices = #map1}, {transform_indices = #map1}]} {
    %mul3A = arith.constant 2 : i32
    %mul3A_0 = arith.muli %arg1, %mul3A : i32
    %add3A = arith.addi %mul3A_0, %arg0 : i32
    %mul3A_1 = arith.constant 1312 : i32
    %mul3A_2 = arith.muli %add3A, %mul3A_1 : i32
    "tpu.region"() ({
      %run_scoped3A = tpu.sem_alloc : memref<!tpu.dma_semaphore, #tpu.memory_space<semaphore_mem>>
      %dma_start3A_353 = tpu.memref_slice %arg2[%mul3A_2] : memref<41984xi32, #tpu.memory_space<hbm>> -> memref<1312xi32, #tpu.memory_space<hbm>>
      %dma_start3A_354 = tpu.memref_slice %arg2[%mul3A_2] : memref<41984xi32, #tpu.memory_space<hbm>> -> memref<1312xi32, #tpu.memory_space<hbm>>
      tpu.enqueue_dma source(%dma_start3A_354 : memref<1312xi32, #tpu.memory_space<hbm>>) target(%arg8 : memref<1312xi32, #tpu.memory_space<vmem>>) target_semaphore(%run_scoped3A : memref<!tpu.dma_semaphore, #tpu.memory_space<semaphore_mem>>)
      %dma_wait3A_355 = tpu.memref_slice %arg2[%mul3A_2] : memref<41984xi32, #tpu.memory_space<hbm>> -> memref<1312xi32, #tpu.memory_space<hbm>>
      %dma_wait3A_356 = tpu.memref_slice %arg2[%mul3A_2] : memref<41984xi32, #tpu.memory_space<hbm>> -> memref<1312xi32, #tpu.memory_space<hbm>>
      tpu.wait_dma2 semaphore(%run_scoped3A : memref<!tpu.dma_semaphore, #tpu.memory_space<semaphore_mem>>) src(%dma_wait3A_356 : memref<1312xi32, #tpu.memory_space<hbm>>) dst(%arg8 : memref<1312xi32, #tpu.memory_space<vmem>>)
      tpu.yield
    }) : () -> ()
    %dma_start3A = arith.constant 0 : i32
    %dma_start3A_3 = arith.constant 0 : i32
    %dma_start3A_4 = tpu.memref_slice %arg9[%dma_start3A, %dma_start3A_3] : memref<1312x64xf32, #tpu.memory_space<vmem>> -> memref<128x64xf32, #tpu.memory_space<vmem>>
    %dma_start3A_5 = arith.constant 0 : i32
    %dma_start3A_6 = tpu.memref_slice %arg8[%dma_start3A_5] : memref<1312xi32, #tpu.memory_space<vmem>> -> memref<128xi32, #tpu.memory_space<vmem>>
    %dma_start3A_7 = arith.constant 0 : i32
    %dma_start3A_8 = arith.constant 0 : i32
    %dma_start3A_9 = tpu.memref_slice %arg4[%dma_start3A_7, %dma_start3A_8] : memref<100000x64xf32, #tpu.memory_space<hbm>> -> memref<100000x64xf32, #tpu.memory_space<hbm>>
    tpu.enqueue_indirect_dma source(%dma_start3A_9 : memref<100000x64xf32, #tpu.memory_space<hbm>>) target(%dma_start3A_4 : memref<128x64xf32, #tpu.memory_space<vmem>>) offsets(%dma_start3A_6 : memref<128xi32, #tpu.memory_space<vmem>>) semaphore(%arg10 : memref<!tpu.dma_semaphore, #tpu.memory_space<semaphore_mem>>)
    %dma_start3A_10 = arith.constant 128 : i32
    %dma_start3A_11 = arith.constant 0 : i32
    %dma_start3A_12 = tpu.memref_slice %arg9[%dma_start3A_10, %dma_start3A_11] : memref<1312x64xf32, #tpu.memory_space<vmem>> -> memref<128x64xf32, #tpu.memory_space<vmem>>
    %dma_start3A_13 = arith.constant 128 : i32
    %dma_start3A_14 = tpu.memref_slice %arg8[%dma_start3A_13] : memref<1312xi32, #tpu.memory_space<vmem>> -> memref<128xi32, #tpu.memory_space<vmem>>
    %dma_start3A_15 = arith.constant 0 : i32
    %dma_start3A_16 = arith.constant 0 : i32
    %dma_start3A_17 = tpu.memref_slice %arg4[%dma_start3A_15, %dma_start3A_16] : memref<100000x64xf32, #tpu.memory_space<hbm>> -> memref<100000x64xf32, #tpu.memory_space<hbm>>
    tpu.enqueue_indirect_dma source(%dma_start3A_17 : memref<100000x64xf32, #tpu.memory_space<hbm>>) target(%dma_start3A_12 : memref<128x64xf32, #tpu.memory_space<vmem>>) offsets(%dma_start3A_14 : memref<128xi32, #tpu.memory_space<vmem>>) semaphore(%arg10 : memref<!tpu.dma_semaphore, #tpu.memory_space<semaphore_mem>>)
    %dma_start3A_18 = arith.constant 256 : i32
    %dma_start3A_19 = arith.constant 0 : i32
    %dma_start3A_20 = tpu.memref_slice %arg9[%dma_start3A_18, %dma_start3A_19] : memref<1312x64xf32, #tpu.memory_space<vmem>> -> memref<128x64xf32, #tpu.memory_space<vmem>>
    %dma_start3A_21 = arith.constant 256 : i32
    %dma_start3A_22 = tpu.memref_slice %arg8[%dma_start3A_21] : memref<1312xi32, #tpu.memory_space<vmem>> -> memref<128xi32, #tpu.memory_space<vmem>>
    %dma_start3A_23 = arith.constant 0 : i32
    %dma_start3A_24 = arith.constant 0 : i32
    %dma_start3A_25 = tpu.memref_slice %arg4[%dma_start3A_23, %dma_start3A_24] : memref<100000x64xf32, #tpu.memory_space<hbm>> -> memref<100000x64xf32, #tpu.memory_space<hbm>>
    tpu.enqueue_indirect_dma source(%dma_start3A_25 : memref<100000x64xf32, #tpu.memory_space<hbm>>) target(%dma_start3A_20 : memref<128x64xf32, #tpu.memory_space<vmem>>) offsets(%dma_start3A_22 : memref<128xi32, #tpu.memory_space<vmem>>) semaphore(%arg10 : memref<!tpu.dma_semaphore, #tpu.memory_space<semaphore_mem>>)
    %dma_start3A_26 = arith.constant 384 : i32
    %dma_start3A_27 = arith.constant 0 : i32
    %dma_start3A_28 = tpu.memref_slice %arg9[%dma_start3A_26, %dma_start3A_27] : memref<1312x64xf32, #tpu.memory_space<vmem>> -> memref<128x64xf32, #tpu.memory_space<vmem>>
    %dma_start3A_29 = arith.constant 384 : i32
    %dma_start3A_30 = tpu.memref_slice %arg8[%dma_start3A_29] : memref<1312xi32, #tpu.memory_space<vmem>> -> memref<128xi32, #tpu.memory_space<vmem>>
    %dma_start3A_31 = arith.constant 0 : i32
    %dma_start3A_32 = arith.constant 0 : i32
    %dma_start3A_33 = tpu.memref_slice %arg4[%dma_start3A_31, %dma_start3A_32] : memref<100000x64xf32, #tpu.memory_space<hbm>> -> memref<100000x64xf32, #tpu.memory_space<hbm>>
    tpu.enqueue_indirect_dma source(%dma_start3A_33 : memref<100000x64xf32, #tpu.memory_space<hbm>>) target(%dma_start3A_28 : memref<128x64xf32, #tpu.memory_space<vmem>>) offsets(%dma_start3A_30 : memref<128xi32, #tpu.memory_space<vmem>>) semaphore(%arg10 : memref<!tpu.dma_semaphore, #tpu.memory_space<semaphore_mem>>)
    %dma_start3A_34 = arith.constant 512 : i32
    %dma_start3A_35 = arith.constant 0 : i32
    %dma_start3A_36 = tpu.memref_slice %arg9[%dma_start3A_34, %dma_start3A_35] : memref<1312x64xf32, #tpu.memory_space<vmem>> -> memref<128x64xf32, #tpu.memory_space<vmem>>
    %dma_start3A_37 = arith.constant 512 : i32
    %dma_start3A_38 = tpu.memref_slice %arg8[%dma_start3A_37] : memref<1312xi32, #tpu.memory_space<vmem>> -> memref<128xi32, #tpu.memory_space<vmem>>
    %dma_start3A_39 = arith.constant 0 : i32
    %dma_start3A_40 = arith.constant 0 : i32
    %dma_start3A_41 = tpu.memref_slice %arg4[%dma_start3A_39, %dma_start3A_40] : memref<100000x64xf32, #tpu.memory_space<hbm>> -> memref<100000x64xf32, #tpu.memory_space<hbm>>
    tpu.enqueue_indirect_dma source(%dma_start3A_41 : memref<100000x64xf32, #tpu.memory_space<hbm>>) target(%dma_start3A_36 : memref<128x64xf32, #tpu.memory_space<vmem>>) offsets(%dma_start3A_38 : memref<128xi32, #tpu.memory_space<vmem>>) semaphore(%arg10 : memref<!tpu.dma_semaphore, #tpu.memory_space<semaphore_mem>>)
    %dma_start3A_42 = arith.constant 640 : i32
    %dma_start3A_43 = arith.constant 0 : i32
    %dma_start3A_44 = tpu.memref_slice %arg9[%dma_start3A_42, %dma_start3A_43] : memref<1312x64xf32, #tpu.memory_space<vmem>> -> memref<128x64xf32, #tpu.memory_space<vmem>>
    %dma_start3A_45 = arith.constant 640 : i32
    %dma_start3A_46 = tpu.memref_slice %arg8[%dma_start3A_45] : memref<1312xi32, #tpu.memory_space<vmem>> -> memref<128xi32, #tpu.memory_space<vmem>>
    %dma_start3A_47 = arith.constant 0 : i32
    %dma_start3A_48 = arith.constant 0 : i32
    %dma_start3A_49 = tpu.memref_slice %arg4[%dma_start3A_47, %dma_start3A_48] : memref<100000x64xf32, #tpu.memory_space<hbm>> -> memref<100000x64xf32, #tpu.memory_space<hbm>>
    tpu.enqueue_indirect_dma source(%dma_start3A_49 : memref<100000x64xf32, #tpu.memory_space<hbm>>) target(%dma_start3A_44 : memref<128x64xf32, #tpu.memory_space<vmem>>) offsets(%dma_start3A_46 : memref<128xi32, #tpu.memory_space<vmem>>) semaphore(%arg10 : memref<!tpu.dma_semaphore, #tpu.memory_space<semaphore_mem>>)
    %dma_start3A_50 = arith.constant 768 : i32
    %dma_start3A_51 = arith.constant 0 : i32
    %dma_start3A_52 = tpu.memref_slice %arg9[%dma_start3A_50, %dma_start3A_51] : memref<1312x64xf32, #tpu.memory_space<vmem>> -> memref<128x64xf32, #tpu.memory_space<vmem>>
    %dma_start3A_53 = arith.constant 768 : i32
    %dma_start3A_54 = tpu.memref_slice %arg8[%dma_start3A_53] : memref<1312xi32, #tpu.memory_space<vmem>> -> memref<128xi32, #tpu.memory_space<vmem>>
    %dma_start3A_55 = arith.constant 0 : i32
    %dma_start3A_56 = arith.constant 0 : i32
    %dma_start3A_57 = tpu.memref_slice %arg4[%dma_start3A_55, %dma_start3A_56] : memref<100000x64xf32, #tpu.memory_space<hbm>> -> memref<100000x64xf32, #tpu.memory_space<hbm>>
    tpu.enqueue_indirect_dma source(%dma_start3A_57 : memref<100000x64xf32, #tpu.memory_space<hbm>>) target(%dma_start3A_52 : memref<128x64xf32, #tpu.memory_space<vmem>>) offsets(%dma_start3A_54 : memref<128xi32, #tpu.memory_space<vmem>>) semaphore(%arg10 : memref<!tpu.dma_semaphore, #tpu.memory_space<semaphore_mem>>)
    %dma_start3A_58 = arith.constant 896 : i32
    %dma_start3A_59 = arith.constant 0 : i32
    %dma_start3A_60 = tpu.memref_slice %arg9[%dma_start3A_58, %dma_start3A_59] : memref<1312x64xf32, #tpu.memory_space<vmem>> -> memref<128x64xf32, #tpu.memory_space<vmem>>
    %dma_start3A_61 = arith.constant 896 : i32
    %dma_start3A_62 = tpu.memref_slice %arg8[%dma_start3A_61] : memref<1312xi32, #tpu.memory_space<vmem>> -> memref<128xi32, #tpu.memory_space<vmem>>
    %dma_start3A_63 = arith.constant 0 : i32
    %dma_start3A_64 = arith.constant 0 : i32
    %dma_start3A_65 = tpu.memref_slice %arg4[%dma_start3A_63, %dma_start3A_64] : memref<100000x64xf32, #tpu.memory_space<hbm>> -> memref<100000x64xf32, #tpu.memory_space<hbm>>
    tpu.enqueue_indirect_dma source(%dma_start3A_65 : memref<100000x64xf32, #tpu.memory_space<hbm>>) target(%dma_start3A_60 : memref<128x64xf32, #tpu.memory_space<vmem>>) offsets(%dma_start3A_62 : memref<128xi32, #tpu.memory_space<vmem>>) semaphore(%arg10 : memref<!tpu.dma_semaphore, #tpu.memory_space<semaphore_mem>>)
    %dma_start3A_66 = arith.constant 1024 : i32
    %dma_start3A_67 = arith.constant 0 : i32
    %dma_start3A_68 = tpu.memref_slice %arg9[%dma_start3A_66, %dma_start3A_67] : memref<1312x64xf32, #tpu.memory_space<vmem>> -> memref<128x64xf32, #tpu.memory_space<vmem>>
    %dma_start3A_69 = arith.constant 1024 : i32
    %dma_start3A_70 = tpu.memref_slice %arg8[%dma_start3A_69] : memref<1312xi32, #tpu.memory_space<vmem>> -> memref<128xi32, #tpu.memory_space<vmem>>
    %dma_start3A_71 = arith.constant 0 : i32
    %dma_start3A_72 = arith.constant 0 : i32
    %dma_start3A_73 = tpu.memref_slice %arg4[%dma_start3A_71, %dma_start3A_72] : memref<100000x64xf32, #tpu.memory_space<hbm>> -> memref<100000x64xf32, #tpu.memory_space<hbm>>
    tpu.enqueue_indirect_dma source(%dma_start3A_73 : memref<100000x64xf32, #tpu.memory_space<hbm>>) target(%dma_start3A_68 : memref<128x64xf32, #tpu.memory_space<vmem>>) offsets(%dma_start3A_70 : memref<128xi32, #tpu.memory_space<vmem>>) semaphore(%arg10 : memref<!tpu.dma_semaphore, #tpu.memory_space<semaphore_mem>>)
    %dma_start3A_74 = arith.constant 1152 : i32
    %dma_start3A_75 = arith.constant 0 : i32
    %dma_start3A_76 = tpu.memref_slice %arg9[%dma_start3A_74, %dma_start3A_75] : memref<1312x64xf32, #tpu.memory_space<vmem>> -> memref<128x64xf32, #tpu.memory_space<vmem>>
    %dma_start3A_77 = arith.constant 1152 : i32
    %dma_start3A_78 = tpu.memref_slice %arg8[%dma_start3A_77] : memref<1312xi32, #tpu.memory_space<vmem>> -> memref<128xi32, #tpu.memory_space<vmem>>
    %dma_start3A_79 = arith.constant 0 : i32
    %dma_start3A_80 = arith.constant 0 : i32
    %dma_start3A_81 = tpu.memref_slice %arg4[%dma_start3A_79, %dma_start3A_80] : memref<100000x64xf32, #tpu.memory_space<hbm>> -> memref<100000x64xf32, #tpu.memory_space<hbm>>
    tpu.enqueue_indirect_dma source(%dma_start3A_81 : memref<100000x64xf32, #tpu.memory_space<hbm>>) target(%dma_start3A_76 : memref<128x64xf32, #tpu.memory_space<vmem>>) offsets(%dma_start3A_78 : memref<128xi32, #tpu.memory_space<vmem>>) semaphore(%arg10 : memref<!tpu.dma_semaphore, #tpu.memory_space<semaphore_mem>>)
    %dma_start3A_82 = arith.constant 1280 : i32
    %dma_start3A_83 = arith.constant 0 : i32
    %dma_start3A_84 = tpu.memref_slice %arg9[%dma_start3A_82, %dma_start3A_83] : memref<1312x64xf32, #tpu.memory_space<vmem>> -> memref<32x64xf32, #tpu.memory_space<vmem>>
    %dma_start3A_85 = arith.constant 1280 : i32
    %dma_start3A_86 = tpu.memref_slice %arg8[%dma_start3A_85] : memref<1312xi32, #tpu.memory_space<vmem>> -> memref<32xi32, #tpu.memory_space<vmem>>
    %dma_start3A_87 = arith.constant 0 : i32
    %dma_start3A_88 = arith.constant 0 : i32
    %dma_start3A_89 = tpu.memref_slice %arg4[%dma_start3A_87, %dma_start3A_88] : memref<100000x64xf32, #tpu.memory_space<hbm>> -> memref<100000x64xf32, #tpu.memory_space<hbm>>
    tpu.enqueue_indirect_dma source(%dma_start3A_89 : memref<100000x64xf32, #tpu.memory_space<hbm>>) target(%dma_start3A_84 : memref<32x64xf32, #tpu.memory_space<vmem>>) offsets(%dma_start3A_86 : memref<32xi32, #tpu.memory_space<vmem>>) semaphore(%arg10 : memref<!tpu.dma_semaphore, #tpu.memory_space<semaphore_mem>>)
    %dma_wait3A = arith.constant 0 : i32
    %dma_wait3A_90 = arith.constant 0 : i32
    %dma_wait3A_91 = tpu.memref_slice %arg9[%dma_wait3A, %dma_wait3A_90] : memref<1312x64xf32, #tpu.memory_space<vmem>> -> memref<128x64xf32, #tpu.memory_space<vmem>>
    %dma_wait3A_92 = arith.constant 0 : i32
    %dma_wait3A_93 = tpu.memref_slice %arg8[%dma_wait3A_92] : memref<1312xi32, #tpu.memory_space<vmem>> -> memref<128xi32, #tpu.memory_space<vmem>>
    %dma_wait3A_94 = arith.constant 0 : i32
    %dma_wait3A_95 = arith.constant 0 : i32
    %dma_wait3A_96 = tpu.memref_slice %arg4[%dma_wait3A_94, %dma_wait3A_95] : memref<100000x64xf32, #tpu.memory_space<hbm>> -> memref<100000x64xf32, #tpu.memory_space<hbm>>
    tpu.wait_indirect_dma semaphore(%arg10 : memref<!tpu.dma_semaphore, #tpu.memory_space<semaphore_mem>>) src(%dma_wait3A_96 : memref<100000x64xf32, #tpu.memory_space<hbm>>) dst(%dma_wait3A_91 : memref<128x64xf32, #tpu.memory_space<vmem>>)
    %dma_wait3A_97 = arith.constant 128 : i32
    %dma_wait3A_98 = arith.constant 0 : i32
    %dma_wait3A_99 = tpu.memref_slice %arg9[%dma_wait3A_97, %dma_wait3A_98] : memref<1312x64xf32, #tpu.memory_space<vmem>> -> memref<128x64xf32, #tpu.memory_space<vmem>>
    %dma_wait3A_100 = arith.constant 128 : i32
    %dma_wait3A_101 = tpu.memref_slice %arg8[%dma_wait3A_100] : memref<1312xi32, #tpu.memory_space<vmem>> -> memref<128xi32, #tpu.memory_space<vmem>>
    %dma_wait3A_102 = arith.constant 0 : i32
    %dma_wait3A_103 = arith.constant 0 : i32
    %dma_wait3A_104 = tpu.memref_slice %arg4[%dma_wait3A_102, %dma_wait3A_103] : memref<100000x64xf32, #tpu.memory_space<hbm>> -> memref<100000x64xf32, #tpu.memory_space<hbm>>
    tpu.wait_indirect_dma semaphore(%arg10 : memref<!tpu.dma_semaphore, #tpu.memory_space<semaphore_mem>>) src(%dma_wait3A_104 : memref<100000x64xf32, #tpu.memory_space<hbm>>) dst(%dma_wait3A_99 : memref<128x64xf32, #tpu.memory_space<vmem>>)
    %dma_wait3A_105 = arith.constant 256 : i32
    %dma_wait3A_106 = arith.constant 0 : i32
    %dma_wait3A_107 = tpu.memref_slice %arg9[%dma_wait3A_105, %dma_wait3A_106] : memref<1312x64xf32, #tpu.memory_space<vmem>> -> memref<128x64xf32, #tpu.memory_space<vmem>>
    %dma_wait3A_108 = arith.constant 256 : i32
    %dma_wait3A_109 = tpu.memref_slice %arg8[%dma_wait3A_108] : memref<1312xi32, #tpu.memory_space<vmem>> -> memref<128xi32, #tpu.memory_space<vmem>>
    %dma_wait3A_110 = arith.constant 0 : i32
    %dma_wait3A_111 = arith.constant 0 : i32
    %dma_wait3A_112 = tpu.memref_slice %arg4[%dma_wait3A_110, %dma_wait3A_111] : memref<100000x64xf32, #tpu.memory_space<hbm>> -> memref<100000x64xf32, #tpu.memory_space<hbm>>
    tpu.wait_indirect_dma semaphore(%arg10 : memref<!tpu.dma_semaphore, #tpu.memory_space<semaphore_mem>>) src(%dma_wait3A_112 : memref<100000x64xf32, #tpu.memory_space<hbm>>) dst(%dma_wait3A_107 : memref<128x64xf32, #tpu.memory_space<vmem>>)
    %dma_wait3A_113 = arith.constant 384 : i32
    %dma_wait3A_114 = arith.constant 0 : i32
    %dma_wait3A_115 = tpu.memref_slice %arg9[%dma_wait3A_113, %dma_wait3A_114] : memref<1312x64xf32, #tpu.memory_space<vmem>> -> memref<128x64xf32, #tpu.memory_space<vmem>>
    %dma_wait3A_116 = arith.constant 384 : i32
    %dma_wait3A_117 = tpu.memref_slice %arg8[%dma_wait3A_116] : memref<1312xi32, #tpu.memory_space<vmem>> -> memref<128xi32, #tpu.memory_space<vmem>>
    %dma_wait3A_118 = arith.constant 0 : i32
    %dma_wait3A_119 = arith.constant 0 : i32
    %dma_wait3A_120 = tpu.memref_slice %arg4[%dma_wait3A_118, %dma_wait3A_119] : memref<100000x64xf32, #tpu.memory_space<hbm>> -> memref<100000x64xf32, #tpu.memory_space<hbm>>
    tpu.wait_indirect_dma semaphore(%arg10 : memref<!tpu.dma_semaphore, #tpu.memory_space<semaphore_mem>>) src(%dma_wait3A_120 : memref<100000x64xf32, #tpu.memory_space<hbm>>) dst(%dma_wait3A_115 : memref<128x64xf32, #tpu.memory_space<vmem>>)
    %dma_wait3A_121 = arith.constant 512 : i32
    %dma_wait3A_122 = arith.constant 0 : i32
    %dma_wait3A_123 = tpu.memref_slice %arg9[%dma_wait3A_121, %dma_wait3A_122] : memref<1312x64xf32, #tpu.memory_space<vmem>> -> memref<128x64xf32, #tpu.memory_space<vmem>>
    %dma_wait3A_124 = arith.constant 512 : i32
    %dma_wait3A_125 = tpu.memref_slice %arg8[%dma_wait3A_124] : memref<1312xi32, #tpu.memory_space<vmem>> -> memref<128xi32, #tpu.memory_space<vmem>>
    %dma_wait3A_126 = arith.constant 0 : i32
    %dma_wait3A_127 = arith.constant 0 : i32
    %dma_wait3A_128 = tpu.memref_slice %arg4[%dma_wait3A_126, %dma_wait3A_127] : memref<100000x64xf32, #tpu.memory_space<hbm>> -> memref<100000x64xf32, #tpu.memory_space<hbm>>
    tpu.wait_indirect_dma semaphore(%arg10 : memref<!tpu.dma_semaphore, #tpu.memory_space<semaphore_mem>>) src(%dma_wait3A_128 : memref<100000x64xf32, #tpu.memory_space<hbm>>) dst(%dma_wait3A_123 : memref<128x64xf32, #tpu.memory_space<vmem>>)
    %dma_wait3A_129 = arith.constant 640 : i32
    %dma_wait3A_130 = arith.constant 0 : i32
    %dma_wait3A_131 = tpu.memref_slice %arg9[%dma_wait3A_129, %dma_wait3A_130] : memref<1312x64xf32, #tpu.memory_space<vmem>> -> memref<128x64xf32, #tpu.memory_space<vmem>>
    %dma_wait3A_132 = arith.constant 640 : i32
    %dma_wait3A_133 = tpu.memref_slice %arg8[%dma_wait3A_132] : memref<1312xi32, #tpu.memory_space<vmem>> -> memref<128xi32, #tpu.memory_space<vmem>>
    %dma_wait3A_134 = arith.constant 0 : i32
    %dma_wait3A_135 = arith.constant 0 : i32
    %dma_wait3A_136 = tpu.memref_slice %arg4[%dma_wait3A_134, %dma_wait3A_135] : memref<100000x64xf32, #tpu.memory_space<hbm>> -> memref<100000x64xf32, #tpu.memory_space<hbm>>
    tpu.wait_indirect_dma semaphore(%arg10 : memref<!tpu.dma_semaphore, #tpu.memory_space<semaphore_mem>>) src(%dma_wait3A_136 : memref<100000x64xf32, #tpu.memory_space<hbm>>) dst(%dma_wait3A_131 : memref<128x64xf32, #tpu.memory_space<vmem>>)
    %dma_wait3A_137 = arith.constant 768 : i32
    %dma_wait3A_138 = arith.constant 0 : i32
    %dma_wait3A_139 = tpu.memref_slice %arg9[%dma_wait3A_137, %dma_wait3A_138] : memref<1312x64xf32, #tpu.memory_space<vmem>> -> memref<128x64xf32, #tpu.memory_space<vmem>>
    %dma_wait3A_140 = arith.constant 768 : i32
    %dma_wait3A_141 = tpu.memref_slice %arg8[%dma_wait3A_140] : memref<1312xi32, #tpu.memory_space<vmem>> -> memref<128xi32, #tpu.memory_space<vmem>>
    %dma_wait3A_142 = arith.constant 0 : i32
    %dma_wait3A_143 = arith.constant 0 : i32
    %dma_wait3A_144 = tpu.memref_slice %arg4[%dma_wait3A_142, %dma_wait3A_143] : memref<100000x64xf32, #tpu.memory_space<hbm>> -> memref<100000x64xf32, #tpu.memory_space<hbm>>
    tpu.wait_indirect_dma semaphore(%arg10 : memref<!tpu.dma_semaphore, #tpu.memory_space<semaphore_mem>>) src(%dma_wait3A_144 : memref<100000x64xf32, #tpu.memory_space<hbm>>) dst(%dma_wait3A_139 : memref<128x64xf32, #tpu.memory_space<vmem>>)
    %dma_wait3A_145 = arith.constant 896 : i32
    %dma_wait3A_146 = arith.constant 0 : i32
    %dma_wait3A_147 = tpu.memref_slice %arg9[%dma_wait3A_145, %dma_wait3A_146] : memref<1312x64xf32, #tpu.memory_space<vmem>> -> memref<128x64xf32, #tpu.memory_space<vmem>>
    %dma_wait3A_148 = arith.constant 896 : i32
    %dma_wait3A_149 = tpu.memref_slice %arg8[%dma_wait3A_148] : memref<1312xi32, #tpu.memory_space<vmem>> -> memref<128xi32, #tpu.memory_space<vmem>>
    %dma_wait3A_150 = arith.constant 0 : i32
    %dma_wait3A_151 = arith.constant 0 : i32
    %dma_wait3A_152 = tpu.memref_slice %arg4[%dma_wait3A_150, %dma_wait3A_151] : memref<100000x64xf32, #tpu.memory_space<hbm>> -> memref<100000x64xf32, #tpu.memory_space<hbm>>
    tpu.wait_indirect_dma semaphore(%arg10 : memref<!tpu.dma_semaphore, #tpu.memory_space<semaphore_mem>>) src(%dma_wait3A_152 : memref<100000x64xf32, #tpu.memory_space<hbm>>) dst(%dma_wait3A_147 : memref<128x64xf32, #tpu.memory_space<vmem>>)
    %dma_wait3A_153 = arith.constant 1024 : i32
    %dma_wait3A_154 = arith.constant 0 : i32
    %dma_wait3A_155 = tpu.memref_slice %arg9[%dma_wait3A_153, %dma_wait3A_154] : memref<1312x64xf32, #tpu.memory_space<vmem>> -> memref<128x64xf32, #tpu.memory_space<vmem>>
    %dma_wait3A_156 = arith.constant 1024 : i32
    %dma_wait3A_157 = tpu.memref_slice %arg8[%dma_wait3A_156] : memref<1312xi32, #tpu.memory_space<vmem>> -> memref<128xi32, #tpu.memory_space<vmem>>
    %dma_wait3A_158 = arith.constant 0 : i32
    %dma_wait3A_159 = arith.constant 0 : i32
    %dma_wait3A_160 = tpu.memref_slice %arg4[%dma_wait3A_158, %dma_wait3A_159] : memref<100000x64xf32, #tpu.memory_space<hbm>> -> memref<100000x64xf32, #tpu.memory_space<hbm>>
    tpu.wait_indirect_dma semaphore(%arg10 : memref<!tpu.dma_semaphore, #tpu.memory_space<semaphore_mem>>) src(%dma_wait3A_160 : memref<100000x64xf32, #tpu.memory_space<hbm>>) dst(%dma_wait3A_155 : memref<128x64xf32, #tpu.memory_space<vmem>>)
    %dma_wait3A_161 = arith.constant 1152 : i32
    %dma_wait3A_162 = arith.constant 0 : i32
    %dma_wait3A_163 = tpu.memref_slice %arg9[%dma_wait3A_161, %dma_wait3A_162] : memref<1312x64xf32, #tpu.memory_space<vmem>> -> memref<128x64xf32, #tpu.memory_space<vmem>>
    %dma_wait3A_164 = arith.constant 1152 : i32
    %dma_wait3A_165 = tpu.memref_slice %arg8[%dma_wait3A_164] : memref<1312xi32, #tpu.memory_space<vmem>> -> memref<128xi32, #tpu.memory_space<vmem>>
    %dma_wait3A_166 = arith.constant 0 : i32
    %dma_wait3A_167 = arith.constant 0 : i32
    %dma_wait3A_168 = tpu.memref_slice %arg4[%dma_wait3A_166, %dma_wait3A_167] : memref<100000x64xf32, #tpu.memory_space<hbm>> -> memref<100000x64xf32, #tpu.memory_space<hbm>>
    tpu.wait_indirect_dma semaphore(%arg10 : memref<!tpu.dma_semaphore, #tpu.memory_space<semaphore_mem>>) src(%dma_wait3A_168 : memref<100000x64xf32, #tpu.memory_space<hbm>>) dst(%dma_wait3A_163 : memref<128x64xf32, #tpu.memory_space<vmem>>)
    %dma_wait3A_169 = arith.constant 1280 : i32
    %dma_wait3A_170 = arith.constant 0 : i32
    %dma_wait3A_171 = tpu.memref_slice %arg9[%dma_wait3A_169, %dma_wait3A_170] : memref<1312x64xf32, #tpu.memory_space<vmem>> -> memref<32x64xf32, #tpu.memory_space<vmem>>
    %dma_wait3A_172 = arith.constant 1280 : i32
    %dma_wait3A_173 = tpu.memref_slice %arg8[%dma_wait3A_172] : memref<1312xi32, #tpu.memory_space<vmem>> -> memref<32xi32, #tpu.memory_space<vmem>>
    %dma_wait3A_174 = arith.constant 0 : i32
    %dma_wait3A_175 = arith.constant 0 : i32
    %dma_wait3A_176 = tpu.memref_slice %arg4[%dma_wait3A_174, %dma_wait3A_175] : memref<100000x64xf32, #tpu.memory_space<hbm>> -> memref<100000x64xf32, #tpu.memory_space<hbm>>
    tpu.wait_indirect_dma semaphore(%arg10 : memref<!tpu.dma_semaphore, #tpu.memory_space<semaphore_mem>>) src(%dma_wait3A_176 : memref<100000x64xf32, #tpu.memory_space<hbm>>) dst(%dma_wait3A_171 : memref<32x64xf32, #tpu.memory_space<vmem>>)
    "tpu.region"() ({
      %run_scoped3A = tpu.sem_alloc : memref<!tpu.dma_semaphore, #tpu.memory_space<semaphore_mem>>
      %dma_start3A_353 = arith.constant 0 : i32
      %dma_start3A_354 = tpu.memref_slice %arg6[%mul3A_2, %dma_start3A_353] : memref<41984x64xf32, #tpu.memory_space<hbm>> -> memref<1312x64xf32, #tpu.memory_space<hbm>>
      %dma_start3A_355 = arith.constant 0 : i32
      %dma_start3A_356 = tpu.memref_slice %arg6[%mul3A_2, %dma_start3A_355] : memref<41984x64xf32, #tpu.memory_space<hbm>> -> memref<1312x64xf32, #tpu.memory_space<hbm>>
      tpu.enqueue_dma source(%arg9 : memref<1312x64xf32, #tpu.memory_space<vmem>>) target(%dma_start3A_356 : memref<1312x64xf32, #tpu.memory_space<hbm>>) target_semaphore(%run_scoped3A : memref<!tpu.dma_semaphore, #tpu.memory_space<semaphore_mem>>)
      %dma_wait3A_357 = arith.constant 0 : i32
      %dma_wait3A_358 = tpu.memref_slice %arg6[%mul3A_2, %dma_wait3A_357] : memref<41984x64xf32, #tpu.memory_space<hbm>> -> memref<1312x64xf32, #tpu.memory_space<hbm>>
      %dma_wait3A_359 = arith.constant 0 : i32
      %dma_wait3A_360 = tpu.memref_slice %arg6[%mul3A_2, %dma_wait3A_359] : memref<41984x64xf32, #tpu.memory_space<hbm>> -> memref<1312x64xf32, #tpu.memory_space<hbm>>
      tpu.wait_dma2 semaphore(%run_scoped3A : memref<!tpu.dma_semaphore, #tpu.memory_space<semaphore_mem>>) src(%arg9 : memref<1312x64xf32, #tpu.memory_space<vmem>>) dst(%dma_wait3A_360 : memref<1312x64xf32, #tpu.memory_space<hbm>>)
      tpu.yield
    }) : () -> ()
    "tpu.region"() ({
      %run_scoped3A = tpu.sem_alloc : memref<!tpu.dma_semaphore, #tpu.memory_space<semaphore_mem>>
      %dma_start3A_353 = tpu.memref_slice %arg3[%mul3A_2] : memref<41984xi32, #tpu.memory_space<hbm>> -> memref<1312xi32, #tpu.memory_space<hbm>>
      %dma_start3A_354 = tpu.memref_slice %arg3[%mul3A_2] : memref<41984xi32, #tpu.memory_space<hbm>> -> memref<1312xi32, #tpu.memory_space<hbm>>
      tpu.enqueue_dma source(%dma_start3A_354 : memref<1312xi32, #tpu.memory_space<hbm>>) target(%arg8 : memref<1312xi32, #tpu.memory_space<vmem>>) target_semaphore(%run_scoped3A : memref<!tpu.dma_semaphore, #tpu.memory_space<semaphore_mem>>)
      %dma_wait3A_355 = tpu.memref_slice %arg3[%mul3A_2] : memref<41984xi32, #tpu.memory_space<hbm>> -> memref<1312xi32, #tpu.memory_space<hbm>>
      %dma_wait3A_356 = tpu.memref_slice %arg3[%mul3A_2] : memref<41984xi32, #tpu.memory_space<hbm>> -> memref<1312xi32, #tpu.memory_space<hbm>>
      tpu.wait_dma2 semaphore(%run_scoped3A : memref<!tpu.dma_semaphore, #tpu.memory_space<semaphore_mem>>) src(%dma_wait3A_356 : memref<1312xi32, #tpu.memory_space<hbm>>) dst(%arg8 : memref<1312xi32, #tpu.memory_space<vmem>>)
      tpu.yield
    }) : () -> ()
    %dma_start3A_177 = arith.constant 0 : i32
    %dma_start3A_178 = arith.constant 0 : i32
    %dma_start3A_179 = tpu.memref_slice %arg9[%dma_start3A_177, %dma_start3A_178] : memref<1312x64xf32, #tpu.memory_space<vmem>> -> memref<128x64xf32, #tpu.memory_space<vmem>>
    %dma_start3A_180 = arith.constant 0 : i32
    %dma_start3A_181 = tpu.memref_slice %arg8[%dma_start3A_180] : memref<1312xi32, #tpu.memory_space<vmem>> -> memref<128xi32, #tpu.memory_space<vmem>>
    %dma_start3A_182 = arith.constant 0 : i32
    %dma_start3A_183 = arith.constant 0 : i32
    %dma_start3A_184 = tpu.memref_slice %arg5[%dma_start3A_182, %dma_start3A_183] : memref<100000x64xf32, #tpu.memory_space<hbm>> -> memref<100000x64xf32, #tpu.memory_space<hbm>>
    tpu.enqueue_indirect_dma source(%dma_start3A_184 : memref<100000x64xf32, #tpu.memory_space<hbm>>) target(%dma_start3A_179 : memref<128x64xf32, #tpu.memory_space<vmem>>) offsets(%dma_start3A_181 : memref<128xi32, #tpu.memory_space<vmem>>) semaphore(%arg10 : memref<!tpu.dma_semaphore, #tpu.memory_space<semaphore_mem>>)
    %dma_start3A_185 = arith.constant 128 : i32
    %dma_start3A_186 = arith.constant 0 : i32
    %dma_start3A_187 = tpu.memref_slice %arg9[%dma_start3A_185, %dma_start3A_186] : memref<1312x64xf32, #tpu.memory_space<vmem>> -> memref<128x64xf32, #tpu.memory_space<vmem>>
    %dma_start3A_188 = arith.constant 128 : i32
    %dma_start3A_189 = tpu.memref_slice %arg8[%dma_start3A_188] : memref<1312xi32, #tpu.memory_space<vmem>> -> memref<128xi32, #tpu.memory_space<vmem>>
    %dma_start3A_190 = arith.constant 0 : i32
    %dma_start3A_191 = arith.constant 0 : i32
    %dma_start3A_192 = tpu.memref_slice %arg5[%dma_start3A_190, %dma_start3A_191] : memref<100000x64xf32, #tpu.memory_space<hbm>> -> memref<100000x64xf32, #tpu.memory_space<hbm>>
    tpu.enqueue_indirect_dma source(%dma_start3A_192 : memref<100000x64xf32, #tpu.memory_space<hbm>>) target(%dma_start3A_187 : memref<128x64xf32, #tpu.memory_space<vmem>>) offsets(%dma_start3A_189 : memref<128xi32, #tpu.memory_space<vmem>>) semaphore(%arg10 : memref<!tpu.dma_semaphore, #tpu.memory_space<semaphore_mem>>)
    %dma_start3A_193 = arith.constant 256 : i32
    %dma_start3A_194 = arith.constant 0 : i32
    %dma_start3A_195 = tpu.memref_slice %arg9[%dma_start3A_193, %dma_start3A_194] : memref<1312x64xf32, #tpu.memory_space<vmem>> -> memref<128x64xf32, #tpu.memory_space<vmem>>
    %dma_start3A_196 = arith.constant 256 : i32
    %dma_start3A_197 = tpu.memref_slice %arg8[%dma_start3A_196] : memref<1312xi32, #tpu.memory_space<vmem>> -> memref<128xi32, #tpu.memory_space<vmem>>
    %dma_start3A_198 = arith.constant 0 : i32
    %dma_start3A_199 = arith.constant 0 : i32
    %dma_start3A_200 = tpu.memref_slice %arg5[%dma_start3A_198, %dma_start3A_199] : memref<100000x64xf32, #tpu.memory_space<hbm>> -> memref<100000x64xf32, #tpu.memory_space<hbm>>
    tpu.enqueue_indirect_dma source(%dma_start3A_200 : memref<100000x64xf32, #tpu.memory_space<hbm>>) target(%dma_start3A_195 : memref<128x64xf32, #tpu.memory_space<vmem>>) offsets(%dma_start3A_197 : memref<128xi32, #tpu.memory_space<vmem>>) semaphore(%arg10 : memref<!tpu.dma_semaphore, #tpu.memory_space<semaphore_mem>>)
    %dma_start3A_201 = arith.constant 384 : i32
    %dma_start3A_202 = arith.constant 0 : i32
    %dma_start3A_203 = tpu.memref_slice %arg9[%dma_start3A_201, %dma_start3A_202] : memref<1312x64xf32, #tpu.memory_space<vmem>> -> memref<128x64xf32, #tpu.memory_space<vmem>>
    %dma_start3A_204 = arith.constant 384 : i32
    %dma_start3A_205 = tpu.memref_slice %arg8[%dma_start3A_204] : memref<1312xi32, #tpu.memory_space<vmem>> -> memref<128xi32, #tpu.memory_space<vmem>>
    %dma_start3A_206 = arith.constant 0 : i32
    %dma_start3A_207 = arith.constant 0 : i32
    %dma_start3A_208 = tpu.memref_slice %arg5[%dma_start3A_206, %dma_start3A_207] : memref<100000x64xf32, #tpu.memory_space<hbm>> -> memref<100000x64xf32, #tpu.memory_space<hbm>>
    tpu.enqueue_indirect_dma source(%dma_start3A_208 : memref<100000x64xf32, #tpu.memory_space<hbm>>) target(%dma_start3A_203 : memref<128x64xf32, #tpu.memory_space<vmem>>) offsets(%dma_start3A_205 : memref<128xi32, #tpu.memory_space<vmem>>) semaphore(%arg10 : memref<!tpu.dma_semaphore, #tpu.memory_space<semaphore_mem>>)
    %dma_start3A_209 = arith.constant 512 : i32
    %dma_start3A_210 = arith.constant 0 : i32
    %dma_start3A_211 = tpu.memref_slice %arg9[%dma_start3A_209, %dma_start3A_210] : memref<1312x64xf32, #tpu.memory_space<vmem>> -> memref<128x64xf32, #tpu.memory_space<vmem>>
    %dma_start3A_212 = arith.constant 512 : i32
    %dma_start3A_213 = tpu.memref_slice %arg8[%dma_start3A_212] : memref<1312xi32, #tpu.memory_space<vmem>> -> memref<128xi32, #tpu.memory_space<vmem>>
    %dma_start3A_214 = arith.constant 0 : i32
    %dma_start3A_215 = arith.constant 0 : i32
    %dma_start3A_216 = tpu.memref_slice %arg5[%dma_start3A_214, %dma_start3A_215] : memref<100000x64xf32, #tpu.memory_space<hbm>> -> memref<100000x64xf32, #tpu.memory_space<hbm>>
    tpu.enqueue_indirect_dma source(%dma_start3A_216 : memref<100000x64xf32, #tpu.memory_space<hbm>>) target(%dma_start3A_211 : memref<128x64xf32, #tpu.memory_space<vmem>>) offsets(%dma_start3A_213 : memref<128xi32, #tpu.memory_space<vmem>>) semaphore(%arg10 : memref<!tpu.dma_semaphore, #tpu.memory_space<semaphore_mem>>)
    %dma_start3A_217 = arith.constant 640 : i32
    %dma_start3A_218 = arith.constant 0 : i32
    %dma_start3A_219 = tpu.memref_slice %arg9[%dma_start3A_217, %dma_start3A_218] : memref<1312x64xf32, #tpu.memory_space<vmem>> -> memref<128x64xf32, #tpu.memory_space<vmem>>
    %dma_start3A_220 = arith.constant 640 : i32
    %dma_start3A_221 = tpu.memref_slice %arg8[%dma_start3A_220] : memref<1312xi32, #tpu.memory_space<vmem>> -> memref<128xi32, #tpu.memory_space<vmem>>
    %dma_start3A_222 = arith.constant 0 : i32
    %dma_start3A_223 = arith.constant 0 : i32
    %dma_start3A_224 = tpu.memref_slice %arg5[%dma_start3A_222, %dma_start3A_223] : memref<100000x64xf32, #tpu.memory_space<hbm>> -> memref<100000x64xf32, #tpu.memory_space<hbm>>
    tpu.enqueue_indirect_dma source(%dma_start3A_224 : memref<100000x64xf32, #tpu.memory_space<hbm>>) target(%dma_start3A_219 : memref<128x64xf32, #tpu.memory_space<vmem>>) offsets(%dma_start3A_221 : memref<128xi32, #tpu.memory_space<vmem>>) semaphore(%arg10 : memref<!tpu.dma_semaphore, #tpu.memory_space<semaphore_mem>>)
    %dma_start3A_225 = arith.constant 768 : i32
    %dma_start3A_226 = arith.constant 0 : i32
    %dma_start3A_227 = tpu.memref_slice %arg9[%dma_start3A_225, %dma_start3A_226] : memref<1312x64xf32, #tpu.memory_space<vmem>> -> memref<128x64xf32, #tpu.memory_space<vmem>>
    %dma_start3A_228 = arith.constant 768 : i32
    %dma_start3A_229 = tpu.memref_slice %arg8[%dma_start3A_228] : memref<1312xi32, #tpu.memory_space<vmem>> -> memref<128xi32, #tpu.memory_space<vmem>>
    %dma_start3A_230 = arith.constant 0 : i32
    %dma_start3A_231 = arith.constant 0 : i32
    %dma_start3A_232 = tpu.memref_slice %arg5[%dma_start3A_230, %dma_start3A_231] : memref<100000x64xf32, #tpu.memory_space<hbm>> -> memref<100000x64xf32, #tpu.memory_space<hbm>>
    tpu.enqueue_indirect_dma source(%dma_start3A_232 : memref<100000x64xf32, #tpu.memory_space<hbm>>) target(%dma_start3A_227 : memref<128x64xf32, #tpu.memory_space<vmem>>) offsets(%dma_start3A_229 : memref<128xi32, #tpu.memory_space<vmem>>) semaphore(%arg10 : memref<!tpu.dma_semaphore, #tpu.memory_space<semaphore_mem>>)
    %dma_start3A_233 = arith.constant 896 : i32
    %dma_start3A_234 = arith.constant 0 : i32
    %dma_start3A_235 = tpu.memref_slice %arg9[%dma_start3A_233, %dma_start3A_234] : memref<1312x64xf32, #tpu.memory_space<vmem>> -> memref<128x64xf32, #tpu.memory_space<vmem>>
    %dma_start3A_236 = arith.constant 896 : i32
    %dma_start3A_237 = tpu.memref_slice %arg8[%dma_start3A_236] : memref<1312xi32, #tpu.memory_space<vmem>> -> memref<128xi32, #tpu.memory_space<vmem>>
    %dma_start3A_238 = arith.constant 0 : i32
    %dma_start3A_239 = arith.constant 0 : i32
    %dma_start3A_240 = tpu.memref_slice %arg5[%dma_start3A_238, %dma_start3A_239] : memref<100000x64xf32, #tpu.memory_space<hbm>> -> memref<100000x64xf32, #tpu.memory_space<hbm>>
    tpu.enqueue_indirect_dma source(%dma_start3A_240 : memref<100000x64xf32, #tpu.memory_space<hbm>>) target(%dma_start3A_235 : memref<128x64xf32, #tpu.memory_space<vmem>>) offsets(%dma_start3A_237 : memref<128xi32, #tpu.memory_space<vmem>>) semaphore(%arg10 : memref<!tpu.dma_semaphore, #tpu.memory_space<semaphore_mem>>)
    %dma_start3A_241 = arith.constant 1024 : i32
    %dma_start3A_242 = arith.constant 0 : i32
    %dma_start3A_243 = tpu.memref_slice %arg9[%dma_start3A_241, %dma_start3A_242] : memref<1312x64xf32, #tpu.memory_space<vmem>> -> memref<128x64xf32, #tpu.memory_space<vmem>>
    %dma_start3A_244 = arith.constant 1024 : i32
    %dma_start3A_245 = tpu.memref_slice %arg8[%dma_start3A_244] : memref<1312xi32, #tpu.memory_space<vmem>> -> memref<128xi32, #tpu.memory_space<vmem>>
    %dma_start3A_246 = arith.constant 0 : i32
    %dma_start3A_247 = arith.constant 0 : i32
    %dma_start3A_248 = tpu.memref_slice %arg5[%dma_start3A_246, %dma_start3A_247] : memref<100000x64xf32, #tpu.memory_space<hbm>> -> memref<100000x64xf32, #tpu.memory_space<hbm>>
    tpu.enqueue_indirect_dma source(%dma_start3A_248 : memref<100000x64xf32, #tpu.memory_space<hbm>>) target(%dma_start3A_243 : memref<128x64xf32, #tpu.memory_space<vmem>>) offsets(%dma_start3A_245 : memref<128xi32, #tpu.memory_space<vmem>>) semaphore(%arg10 : memref<!tpu.dma_semaphore, #tpu.memory_space<semaphore_mem>>)
    %dma_start3A_249 = arith.constant 1152 : i32
    %dma_start3A_250 = arith.constant 0 : i32
    %dma_start3A_251 = tpu.memref_slice %arg9[%dma_start3A_249, %dma_start3A_250] : memref<1312x64xf32, #tpu.memory_space<vmem>> -> memref<128x64xf32, #tpu.memory_space<vmem>>
    %dma_start3A_252 = arith.constant 1152 : i32
    %dma_start3A_253 = tpu.memref_slice %arg8[%dma_start3A_252] : memref<1312xi32, #tpu.memory_space<vmem>> -> memref<128xi32, #tpu.memory_space<vmem>>
    %dma_start3A_254 = arith.constant 0 : i32
    %dma_start3A_255 = arith.constant 0 : i32
    %dma_start3A_256 = tpu.memref_slice %arg5[%dma_start3A_254, %dma_start3A_255] : memref<100000x64xf32, #tpu.memory_space<hbm>> -> memref<100000x64xf32, #tpu.memory_space<hbm>>
    tpu.enqueue_indirect_dma source(%dma_start3A_256 : memref<100000x64xf32, #tpu.memory_space<hbm>>) target(%dma_start3A_251 : memref<128x64xf32, #tpu.memory_space<vmem>>) offsets(%dma_start3A_253 : memref<128xi32, #tpu.memory_space<vmem>>) semaphore(%arg10 : memref<!tpu.dma_semaphore, #tpu.memory_space<semaphore_mem>>)
    %dma_start3A_257 = arith.constant 1280 : i32
    %dma_start3A_258 = arith.constant 0 : i32
    %dma_start3A_259 = tpu.memref_slice %arg9[%dma_start3A_257, %dma_start3A_258] : memref<1312x64xf32, #tpu.memory_space<vmem>> -> memref<32x64xf32, #tpu.memory_space<vmem>>
    %dma_start3A_260 = arith.constant 1280 : i32
    %dma_start3A_261 = tpu.memref_slice %arg8[%dma_start3A_260] : memref<1312xi32, #tpu.memory_space<vmem>> -> memref<32xi32, #tpu.memory_space<vmem>>
    %dma_start3A_262 = arith.constant 0 : i32
    %dma_start3A_263 = arith.constant 0 : i32
    %dma_start3A_264 = tpu.memref_slice %arg5[%dma_start3A_262, %dma_start3A_263] : memref<100000x64xf32, #tpu.memory_space<hbm>> -> memref<100000x64xf32, #tpu.memory_space<hbm>>
    tpu.enqueue_indirect_dma source(%dma_start3A_264 : memref<100000x64xf32, #tpu.memory_space<hbm>>) target(%dma_start3A_259 : memref<32x64xf32, #tpu.memory_space<vmem>>) offsets(%dma_start3A_261 : memref<32xi32, #tpu.memory_space<vmem>>) semaphore(%arg10 : memref<!tpu.dma_semaphore, #tpu.memory_space<semaphore_mem>>)
    %dma_wait3A_265 = arith.constant 0 : i32
    %dma_wait3A_266 = arith.constant 0 : i32
    %dma_wait3A_267 = tpu.memref_slice %arg9[%dma_wait3A_265, %dma_wait3A_266] : memref<1312x64xf32, #tpu.memory_space<vmem>> -> memref<128x64xf32, #tpu.memory_space<vmem>>
    %dma_wait3A_268 = arith.constant 0 : i32
    %dma_wait3A_269 = tpu.memref_slice %arg8[%dma_wait3A_268] : memref<1312xi32, #tpu.memory_space<vmem>> -> memref<128xi32, #tpu.memory_space<vmem>>
    %dma_wait3A_270 = arith.constant 0 : i32
    %dma_wait3A_271 = arith.constant 0 : i32
    %dma_wait3A_272 = tpu.memref_slice %arg5[%dma_wait3A_270, %dma_wait3A_271] : memref<100000x64xf32, #tpu.memory_space<hbm>> -> memref<100000x64xf32, #tpu.memory_space<hbm>>
    tpu.wait_indirect_dma semaphore(%arg10 : memref<!tpu.dma_semaphore, #tpu.memory_space<semaphore_mem>>) src(%dma_wait3A_272 : memref<100000x64xf32, #tpu.memory_space<hbm>>) dst(%dma_wait3A_267 : memref<128x64xf32, #tpu.memory_space<vmem>>)
    %dma_wait3A_273 = arith.constant 128 : i32
    %dma_wait3A_274 = arith.constant 0 : i32
    %dma_wait3A_275 = tpu.memref_slice %arg9[%dma_wait3A_273, %dma_wait3A_274] : memref<1312x64xf32, #tpu.memory_space<vmem>> -> memref<128x64xf32, #tpu.memory_space<vmem>>
    %dma_wait3A_276 = arith.constant 128 : i32
    %dma_wait3A_277 = tpu.memref_slice %arg8[%dma_wait3A_276] : memref<1312xi32, #tpu.memory_space<vmem>> -> memref<128xi32, #tpu.memory_space<vmem>>
    %dma_wait3A_278 = arith.constant 0 : i32
    %dma_wait3A_279 = arith.constant 0 : i32
    %dma_wait3A_280 = tpu.memref_slice %arg5[%dma_wait3A_278, %dma_wait3A_279] : memref<100000x64xf32, #tpu.memory_space<hbm>> -> memref<100000x64xf32, #tpu.memory_space<hbm>>
    tpu.wait_indirect_dma semaphore(%arg10 : memref<!tpu.dma_semaphore, #tpu.memory_space<semaphore_mem>>) src(%dma_wait3A_280 : memref<100000x64xf32, #tpu.memory_space<hbm>>) dst(%dma_wait3A_275 : memref<128x64xf32, #tpu.memory_space<vmem>>)
    %dma_wait3A_281 = arith.constant 256 : i32
    %dma_wait3A_282 = arith.constant 0 : i32
    %dma_wait3A_283 = tpu.memref_slice %arg9[%dma_wait3A_281, %dma_wait3A_282] : memref<1312x64xf32, #tpu.memory_space<vmem>> -> memref<128x64xf32, #tpu.memory_space<vmem>>
    %dma_wait3A_284 = arith.constant 256 : i32
    %dma_wait3A_285 = tpu.memref_slice %arg8[%dma_wait3A_284] : memref<1312xi32, #tpu.memory_space<vmem>> -> memref<128xi32, #tpu.memory_space<vmem>>
    %dma_wait3A_286 = arith.constant 0 : i32
    %dma_wait3A_287 = arith.constant 0 : i32
    %dma_wait3A_288 = tpu.memref_slice %arg5[%dma_wait3A_286, %dma_wait3A_287] : memref<100000x64xf32, #tpu.memory_space<hbm>> -> memref<100000x64xf32, #tpu.memory_space<hbm>>
    tpu.wait_indirect_dma semaphore(%arg10 : memref<!tpu.dma_semaphore, #tpu.memory_space<semaphore_mem>>) src(%dma_wait3A_288 : memref<100000x64xf32, #tpu.memory_space<hbm>>) dst(%dma_wait3A_283 : memref<128x64xf32, #tpu.memory_space<vmem>>)
    %dma_wait3A_289 = arith.constant 384 : i32
    %dma_wait3A_290 = arith.constant 0 : i32
    %dma_wait3A_291 = tpu.memref_slice %arg9[%dma_wait3A_289, %dma_wait3A_290] : memref<1312x64xf32, #tpu.memory_space<vmem>> -> memref<128x64xf32, #tpu.memory_space<vmem>>
    %dma_wait3A_292 = arith.constant 384 : i32
    %dma_wait3A_293 = tpu.memref_slice %arg8[%dma_wait3A_292] : memref<1312xi32, #tpu.memory_space<vmem>> -> memref<128xi32, #tpu.memory_space<vmem>>
    %dma_wait3A_294 = arith.constant 0 : i32
    %dma_wait3A_295 = arith.constant 0 : i32
    %dma_wait3A_296 = tpu.memref_slice %arg5[%dma_wait3A_294, %dma_wait3A_295] : memref<100000x64xf32, #tpu.memory_space<hbm>> -> memref<100000x64xf32, #tpu.memory_space<hbm>>
    tpu.wait_indirect_dma semaphore(%arg10 : memref<!tpu.dma_semaphore, #tpu.memory_space<semaphore_mem>>) src(%dma_wait3A_296 : memref<100000x64xf32, #tpu.memory_space<hbm>>) dst(%dma_wait3A_291 : memref<128x64xf32, #tpu.memory_space<vmem>>)
    %dma_wait3A_297 = arith.constant 512 : i32
    %dma_wait3A_298 = arith.constant 0 : i32
    %dma_wait3A_299 = tpu.memref_slice %arg9[%dma_wait3A_297, %dma_wait3A_298] : memref<1312x64xf32, #tpu.memory_space<vmem>> -> memref<128x64xf32, #tpu.memory_space<vmem>>
    %dma_wait3A_300 = arith.constant 512 : i32
    %dma_wait3A_301 = tpu.memref_slice %arg8[%dma_wait3A_300] : memref<1312xi32, #tpu.memory_space<vmem>> -> memref<128xi32, #tpu.memory_space<vmem>>
    %dma_wait3A_302 = arith.constant 0 : i32
    %dma_wait3A_303 = arith.constant 0 : i32
    %dma_wait3A_304 = tpu.memref_slice %arg5[%dma_wait3A_302, %dma_wait3A_303] : memref<100000x64xf32, #tpu.memory_space<hbm>> -> memref<100000x64xf32, #tpu.memory_space<hbm>>
    tpu.wait_indirect_dma semaphore(%arg10 : memref<!tpu.dma_semaphore, #tpu.memory_space<semaphore_mem>>) src(%dma_wait3A_304 : memref<100000x64xf32, #tpu.memory_space<hbm>>) dst(%dma_wait3A_299 : memref<128x64xf32, #tpu.memory_space<vmem>>)
    %dma_wait3A_305 = arith.constant 640 : i32
    %dma_wait3A_306 = arith.constant 0 : i32
    %dma_wait3A_307 = tpu.memref_slice %arg9[%dma_wait3A_305, %dma_wait3A_306] : memref<1312x64xf32, #tpu.memory_space<vmem>> -> memref<128x64xf32, #tpu.memory_space<vmem>>
    %dma_wait3A_308 = arith.constant 640 : i32
    %dma_wait3A_309 = tpu.memref_slice %arg8[%dma_wait3A_308] : memref<1312xi32, #tpu.memory_space<vmem>> -> memref<128xi32, #tpu.memory_space<vmem>>
    %dma_wait3A_310 = arith.constant 0 : i32
    %dma_wait3A_311 = arith.constant 0 : i32
    %dma_wait3A_312 = tpu.memref_slice %arg5[%dma_wait3A_310, %dma_wait3A_311] : memref<100000x64xf32, #tpu.memory_space<hbm>> -> memref<100000x64xf32, #tpu.memory_space<hbm>>
    tpu.wait_indirect_dma semaphore(%arg10 : memref<!tpu.dma_semaphore, #tpu.memory_space<semaphore_mem>>) src(%dma_wait3A_312 : memref<100000x64xf32, #tpu.memory_space<hbm>>) dst(%dma_wait3A_307 : memref<128x64xf32, #tpu.memory_space<vmem>>)
    %dma_wait3A_313 = arith.constant 768 : i32
    %dma_wait3A_314 = arith.constant 0 : i32
    %dma_wait3A_315 = tpu.memref_slice %arg9[%dma_wait3A_313, %dma_wait3A_314] : memref<1312x64xf32, #tpu.memory_space<vmem>> -> memref<128x64xf32, #tpu.memory_space<vmem>>
    %dma_wait3A_316 = arith.constant 768 : i32
    %dma_wait3A_317 = tpu.memref_slice %arg8[%dma_wait3A_316] : memref<1312xi32, #tpu.memory_space<vmem>> -> memref<128xi32, #tpu.memory_space<vmem>>
    %dma_wait3A_318 = arith.constant 0 : i32
    %dma_wait3A_319 = arith.constant 0 : i32
    %dma_wait3A_320 = tpu.memref_slice %arg5[%dma_wait3A_318, %dma_wait3A_319] : memref<100000x64xf32, #tpu.memory_space<hbm>> -> memref<100000x64xf32, #tpu.memory_space<hbm>>
    tpu.wait_indirect_dma semaphore(%arg10 : memref<!tpu.dma_semaphore, #tpu.memory_space<semaphore_mem>>) src(%dma_wait3A_320 : memref<100000x64xf32, #tpu.memory_space<hbm>>) dst(%dma_wait3A_315 : memref<128x64xf32, #tpu.memory_space<vmem>>)
    %dma_wait3A_321 = arith.constant 896 : i32
    %dma_wait3A_322 = arith.constant 0 : i32
    %dma_wait3A_323 = tpu.memref_slice %arg9[%dma_wait3A_321, %dma_wait3A_322] : memref<1312x64xf32, #tpu.memory_space<vmem>> -> memref<128x64xf32, #tpu.memory_space<vmem>>
    %dma_wait3A_324 = arith.constant 896 : i32
    %dma_wait3A_325 = tpu.memref_slice %arg8[%dma_wait3A_324] : memref<1312xi32, #tpu.memory_space<vmem>> -> memref<128xi32, #tpu.memory_space<vmem>>
    %dma_wait3A_326 = arith.constant 0 : i32
    %dma_wait3A_327 = arith.constant 0 : i32
    %dma_wait3A_328 = tpu.memref_slice %arg5[%dma_wait3A_326, %dma_wait3A_327] : memref<100000x64xf32, #tpu.memory_space<hbm>> -> memref<100000x64xf32, #tpu.memory_space<hbm>>
    tpu.wait_indirect_dma semaphore(%arg10 : memref<!tpu.dma_semaphore, #tpu.memory_space<semaphore_mem>>) src(%dma_wait3A_328 : memref<100000x64xf32, #tpu.memory_space<hbm>>) dst(%dma_wait3A_323 : memref<128x64xf32, #tpu.memory_space<vmem>>)
    %dma_wait3A_329 = arith.constant 1024 : i32
    %dma_wait3A_330 = arith.constant 0 : i32
    %dma_wait3A_331 = tpu.memref_slice %arg9[%dma_wait3A_329, %dma_wait3A_330] : memref<1312x64xf32, #tpu.memory_space<vmem>> -> memref<128x64xf32, #tpu.memory_space<vmem>>
    %dma_wait3A_332 = arith.constant 1024 : i32
    %dma_wait3A_333 = tpu.memref_slice %arg8[%dma_wait3A_332] : memref<1312xi32, #tpu.memory_space<vmem>> -> memref<128xi32, #tpu.memory_space<vmem>>
    %dma_wait3A_334 = arith.constant 0 : i32
    %dma_wait3A_335 = arith.constant 0 : i32
    %dma_wait3A_336 = tpu.memref_slice %arg5[%dma_wait3A_334, %dma_wait3A_335] : memref<100000x64xf32, #tpu.memory_space<hbm>> -> memref<100000x64xf32, #tpu.memory_space<hbm>>
    tpu.wait_indirect_dma semaphore(%arg10 : memref<!tpu.dma_semaphore, #tpu.memory_space<semaphore_mem>>) src(%dma_wait3A_336 : memref<100000x64xf32, #tpu.memory_space<hbm>>) dst(%dma_wait3A_331 : memref<128x64xf32, #tpu.memory_space<vmem>>)
    %dma_wait3A_337 = arith.constant 1152 : i32
    %dma_wait3A_338 = arith.constant 0 : i32
    %dma_wait3A_339 = tpu.memref_slice %arg9[%dma_wait3A_337, %dma_wait3A_338] : memref<1312x64xf32, #tpu.memory_space<vmem>> -> memref<128x64xf32, #tpu.memory_space<vmem>>
    %dma_wait3A_340 = arith.constant 1152 : i32
    %dma_wait3A_341 = tpu.memref_slice %arg8[%dma_wait3A_340] : memref<1312xi32, #tpu.memory_space<vmem>> -> memref<128xi32, #tpu.memory_space<vmem>>
    %dma_wait3A_342 = arith.constant 0 : i32
    %dma_wait3A_343 = arith.constant 0 : i32
    %dma_wait3A_344 = tpu.memref_slice %arg5[%dma_wait3A_342, %dma_wait3A_343] : memref<100000x64xf32, #tpu.memory_space<hbm>> -> memref<100000x64xf32, #tpu.memory_space<hbm>>
    tpu.wait_indirect_dma semaphore(%arg10 : memref<!tpu.dma_semaphore, #tpu.memory_space<semaphore_mem>>) src(%dma_wait3A_344 : memref<100000x64xf32, #tpu.memory_space<hbm>>) dst(%dma_wait3A_339 : memref<128x64xf32, #tpu.memory_space<vmem>>)
    %dma_wait3A_345 = arith.constant 1280 : i32
    %dma_wait3A_346 = arith.constant 0 : i32
    %dma_wait3A_347 = tpu.memref_slice %arg9[%dma_wait3A_345, %dma_wait3A_346] : memref<1312x64xf32, #tpu.memory_space<vmem>> -> memref<32x64xf32, #tpu.memory_space<vmem>>
    %dma_wait3A_348 = arith.constant 1280 : i32
    %dma_wait3A_349 = tpu.memref_slice %arg8[%dma_wait3A_348] : memref<1312xi32, #tpu.memory_space<vmem>> -> memref<32xi32, #tpu.memory_space<vmem>>
    %dma_wait3A_350 = arith.constant 0 : i32
    %dma_wait3A_351 = arith.constant 0 : i32
    %dma_wait3A_352 = tpu.memref_slice %arg5[%dma_wait3A_350, %dma_wait3A_351] : memref<100000x64xf32, #tpu.memory_space<hbm>> -> memref<100000x64xf32, #tpu.memory_space<hbm>>
    tpu.wait_indirect_dma semaphore(%arg10 : memref<!tpu.dma_semaphore, #tpu.memory_space<semaphore_mem>>) src(%dma_wait3A_352 : memref<100000x64xf32, #tpu.memory_space<hbm>>) dst(%dma_wait3A_347 : memref<32x64xf32, #tpu.memory_space<vmem>>)
    "tpu.region"() ({
      %run_scoped3A = tpu.sem_alloc : memref<!tpu.dma_semaphore, #tpu.memory_space<semaphore_mem>>
      %dma_start3A_353 = arith.constant 0 : i32
      %dma_start3A_354 = tpu.memref_slice %arg7[%mul3A_2, %dma_start3A_353] : memref<41984x64xf32, #tpu.memory_space<hbm>> -> memref<1312x64xf32, #tpu.memory_space<hbm>>
      %dma_start3A_355 = arith.constant 0 : i32
      %dma_start3A_356 = tpu.memref_slice %arg7[%mul3A_2, %dma_start3A_355] : memref<41984x64xf32, #tpu.memory_space<hbm>> -> memref<1312x64xf32, #tpu.memory_space<hbm>>
      tpu.enqueue_dma source(%arg9 : memref<1312x64xf32, #tpu.memory_space<vmem>>) target(%dma_start3A_356 : memref<1312x64xf32, #tpu.memory_space<hbm>>) target_semaphore(%run_scoped3A : memref<!tpu.dma_semaphore, #tpu.memory_space<semaphore_mem>>)
      %dma_wait3A_357 = arith.constant 0 : i32
      %dma_wait3A_358 = tpu.memref_slice %arg7[%mul3A_2, %dma_wait3A_357] : memref<41984x64xf32, #tpu.memory_space<hbm>> -> memref<1312x64xf32, #tpu.memory_space<hbm>>
      %dma_wait3A_359 = arith.constant 0 : i32
      %dma_wait3A_360 = tpu.memref_slice %arg7[%mul3A_2, %dma_wait3A_359] : memref<41984x64xf32, #tpu.memory_space<hbm>> -> memref<1312x64xf32, #tpu.memory_space<hbm>>
      tpu.wait_dma2 semaphore(%run_scoped3A : memref<!tpu.dma_semaphore, #tpu.memory_space<semaphore_mem>>) src(%arg9 : memref<1312x64xf32, #tpu.memory_space<vmem>>) dst(%dma_wait3A_360 : memref<1312x64xf32, #tpu.memory_space<hbm>>)
      tpu.yield
    }) : () -> ()
    return
  }
}

module attributes {stable_mosaic.version = 14 : i64} {
  func.func @_tc_body(%arg0: i32, %arg1: memref<128x61x64xf32, #tpu.memory_space<vmem>>, %arg2: memref<128x61x64xf32, #tpu.memory_space<vmem>>, %arg3: memref<5248x64xf32, #tpu.memory_space<vmem>>, %arg4: memref<5248x64xf32, #tpu.memory_space<vmem>>, %arg5: memref<128x64xf32, #tpu.memory_space<vmem>>, %arg6: memref<64x64xf32, #tpu.memory_space<vmem>>, %arg7: memref<128x64xf32, #tpu.memory_space<vmem>>, %arg8: memref<64x64xf32, #tpu.memory_space<vmem>>, %arg9: memref<1x64xf32, #tpu.memory_space<vmem>>, %arg10: memref<1x64xf32, #tpu.memory_space<vmem>>, %arg11: memref<1x64xf32, #tpu.memory_space<vmem>>, %arg12: memref<1x64xf32, #tpu.memory_space<vmem>>, %arg13: memref<128xf32, #tpu.memory_space<vmem>>) attributes {dimension_semantics = [#tpu.dimension_semantics<arbitrary>], iteration_bounds = array<i64: 8>, scalar_prefetch = 0 : i64, scratch_operands = 0 : i64, tpu.core_type = #tpu.core_type<tc>, window_params = [{transform_indices = @transform_0, window_bounds = array<i64: 128, 61, 64>}, {transform_indices = @transform_1, window_bounds = array<i64: 128, 61, 64>}, {transform_indices = @transform_2, window_bounds = array<i64: 5248, 64>}, {transform_indices = @transform_3, window_bounds = array<i64: 5248, 64>}, {pipeline_mode = #tpu.pipeline_mode<synchronous>, transform_indices = @transform_4, window_bounds = array<i64: 128, 64>}, {pipeline_mode = #tpu.pipeline_mode<synchronous>, transform_indices = @transform_5, window_bounds = array<i64: 64, 64>}, {pipeline_mode = #tpu.pipeline_mode<synchronous>, transform_indices = @transform_6, window_bounds = array<i64: 128, 64>}, {pipeline_mode = #tpu.pipeline_mode<synchronous>, transform_indices = @transform_7, window_bounds = array<i64: 64, 64>}, {pipeline_mode = #tpu.pipeline_mode<synchronous>, transform_indices = @transform_8, window_bounds = array<i64: 1, 64>}, {pipeline_mode = #tpu.pipeline_mode<synchronous>, transform_indices = @transform_9, window_bounds = array<i64: 1, 64>}, {pipeline_mode = #tpu.pipeline_mode<synchronous>, transform_indices = @transform_10, window_bounds = array<i64: 1, 64>}, {pipeline_mode = #tpu.pipeline_mode<synchronous>, transform_indices = @transform_11, window_bounds = array<i64: 1, 64>}, {transform_indices = @transform_12, window_bounds = array<i64: 128>}]} {
    %get3A = arith.constant 0 : index
    %get3A_0 = arith.constant 0 : index
    %get3A_1 = vector.load %arg5[%get3A, %get3A_0] : memref<128x64xf32, #tpu.memory_space<vmem>>, vector<64x64xf32>
    %get3A_2 = arith.constant 64 : index
    %get3A_3 = arith.constant 0 : index
    %get3A_4 = vector.load %arg5[%get3A_2, %get3A_3] : memref<128x64xf32, #tpu.memory_space<vmem>>, vector<64x64xf32>
    %get3A_5 = arith.constant 0 : index
    %get3A_6 = arith.constant 0 : index
    %get3A_7 = vector.load %arg6[%get3A_5, %get3A_6] : memref<64x64xf32, #tpu.memory_space<vmem>>, vector<64x64xf32>
    %get3A_8 = arith.constant 0 : index
    %get3A_9 = arith.constant 0 : index
    %get3A_10 = vector.load %arg9[%get3A_8, %get3A_9] : memref<1x64xf32, #tpu.memory_space<vmem>>, vector<1x64xf32>
    %get3A_11 = vector.shape_cast %get3A_10 : vector<1x64xf32> to vector<64xf32>
    %get3A_12 = arith.constant 0 : index
    %get3A_13 = arith.constant 0 : index
    %get3A_14 = vector.load %arg10[%get3A_12, %get3A_13] : memref<1x64xf32, #tpu.memory_space<vmem>>, vector<1x64xf32>
    %get3A_15 = vector.shape_cast %get3A_14 : vector<1x64xf32> to vector<64xf32>
    %get3A_16 = arith.constant 0 : index
    %get3A_17 = arith.constant 0 : index
    %get3A_18 = arith.constant 0 : index
    %get3A_19 = vector.load %arg1[%get3A_16, %get3A_17, %get3A_18] : memref<128x61x64xf32, #tpu.memory_space<vmem>>, vector<128x61x64xf32>
    %get3A_20 = arith.constant 0 : index
    %get3A_21 = arith.constant 0 : index
    %get3A_22 = arith.constant 0 : index
    %get3A_23 = vector.load %arg2[%get3A_20, %get3A_21, %get3A_22] : memref<128x61x64xf32, #tpu.memory_space<vmem>>, vector<128x61x64xf32>
    %get3A_24 = arith.constant 0 : index
    %get3A_25 = arith.constant 0 : index
    %get3A_26 = vector.load %arg3[%get3A_24, %get3A_25] : memref<5248x64xf32, #tpu.memory_space<vmem>>, vector<5248x64xf32>
    %get3A_27 = arith.constant 0 : index
    %get3A_28 = arith.constant 0 : index
    %get3A_29 = vector.load %arg4[%get3A_27, %get3A_28] : memref<5248x64xf32, #tpu.memory_space<vmem>>, vector<5248x64xf32>
    %slice3A = vector.extract_strided_slice %get3A_26 {offsets = [0, 0], sizes = [2560, 64], strides = [1, 1]} : vector<5248x64xf32> to vector<2560x64xf32>
    %slice3A_30 = vector.extract_strided_slice %get3A_29 {offsets = [2560, 0], sizes = [2688, 64], strides = [1, 1]} : vector<5248x64xf32> to vector<2688x64xf32>
    %slice3A_31 = vector.extract_strided_slice %get3A_19 {offsets = [0, 0, 0], sizes = [128, 20, 64], strides = [1, 1, 1]} : vector<128x61x64xf32> to vector<128x20x64xf32>
    %reshape3A = vector.shape_cast %slice3A_31 : vector<128x20x64xf32> to vector<2560x64xf32>
    %slice3A_32 = vector.extract_strided_slice %get3A_19 {offsets = [0, 20, 0], sizes = [128, 21, 64], strides = [1, 1, 1]} : vector<128x61x64xf32> to vector<128x21x64xf32>
    %reshape3A_33 = vector.shape_cast %slice3A_32 : vector<128x21x64xf32> to vector<2688x64xf32>
    %dot_general3A = arith.constant dense<0.000000e+00> : vector<2560x64xf32>
    %dot_general3A_34 = tpu.matmul %reshape3A, %get3A_1, %dot_general3A {dimension_numbers = #tpu.dot_dimension_numbers<[1], [0], [0], [1], [0, 0, 1, 1], [], []>, transpose_lhs_hint = false} : vector<2560x64xf32>, vector<64x64xf32>, vector<2560x64xf32> -> vector<2560x64xf32>
    %dot_general3A_35 = arith.constant dense<0.000000e+00> : vector<2560x64xf32>
    %dot_general3A_36 = tpu.matmul %slice3A, %get3A_4, %dot_general3A_35 {dimension_numbers = #tpu.dot_dimension_numbers<[1], [0], [0], [1], [0, 0, 1, 1], [], []>, transpose_lhs_hint = false} : vector<2560x64xf32>, vector<64x64xf32>, vector<2560x64xf32> -> vector<2560x64xf32>
    %add3A = arith.addf %dot_general3A_34, %dot_general3A_36 : vector<2560x64xf32>
    %broadcast_in_dim3A = vector.shape_cast %get3A_11 : vector<64xf32> to vector<1x64xf32>
    %add3A_37 = vector.broadcast %broadcast_in_dim3A : vector<1x64xf32> to vector<2560x64xf32>
    %add3A_38 = arith.addf %add3A, %add3A_37 : vector<2560x64xf32>
    %max3A = arith.constant 0.000000e+00 : f32
    %max3A_39 = vector.broadcast %max3A : f32 to vector<2560x64xf32>
    %max3A_40 = arith.maximumf %add3A_38, %max3A_39 : vector<2560x64xf32>
    %dot_general3A_41 = arith.constant dense<0.000000e+00> : vector<2560x64xf32>
    %dot_general3A_42 = tpu.matmul %max3A_40, %get3A_7, %dot_general3A_41 {dimension_numbers = #tpu.dot_dimension_numbers<[1], [0], [0], [1], [0, 0, 1, 1], [], []>, transpose_lhs_hint = false} : vector<2560x64xf32>, vector<64x64xf32>, vector<2560x64xf32> -> vector<2560x64xf32>
    %broadcast_in_dim3A_43 = vector.shape_cast %get3A_15 : vector<64xf32> to vector<1x64xf32>
    %add3A_44 = vector.broadcast %broadcast_in_dim3A_43 : vector<1x64xf32> to vector<2560x64xf32>
    %add3A_45 = arith.addf %dot_general3A_42, %add3A_44 : vector<2560x64xf32>
    %max3A_46 = arith.constant 0.000000e+00 : f32
    %max3A_47 = vector.broadcast %max3A_46 : f32 to vector<2560x64xf32>
    %max3A_48 = arith.maximumf %add3A_45, %max3A_47 : vector<2560x64xf32>
    %dot_general3A_49 = arith.constant dense<0.000000e+00> : vector<2688x64xf32>
    %dot_general3A_50 = tpu.matmul %reshape3A_33, %get3A_1, %dot_general3A_49 {dimension_numbers = #tpu.dot_dimension_numbers<[1], [0], [0], [1], [0, 0, 1, 1], [], []>, transpose_lhs_hint = false} : vector<2688x64xf32>, vector<64x64xf32>, vector<2688x64xf32> -> vector<2688x64xf32>
    %dot_general3A_51 = arith.constant dense<0.000000e+00> : vector<2688x64xf32>
    %dot_general3A_52 = tpu.matmul %slice3A_30, %get3A_4, %dot_general3A_51 {dimension_numbers = #tpu.dot_dimension_numbers<[1], [0], [0], [1], [0, 0, 1, 1], [], []>, transpose_lhs_hint = false} : vector<2688x64xf32>, vector<64x64xf32>, vector<2688x64xf32> -> vector<2688x64xf32>
    %add3A_53 = arith.addf %dot_general3A_50, %dot_general3A_52 : vector<2688x64xf32>
    %broadcast_in_dim3A_54 = vector.shape_cast %get3A_11 : vector<64xf32> to vector<1x64xf32>
    %add3A_55 = vector.broadcast %broadcast_in_dim3A_54 : vector<1x64xf32> to vector<2688x64xf32>
    %add3A_56 = arith.addf %add3A_53, %add3A_55 : vector<2688x64xf32>
    %max3A_57 = arith.constant 0.000000e+00 : f32
    %max3A_58 = vector.broadcast %max3A_57 : f32 to vector<2688x64xf32>
    %max3A_59 = arith.maximumf %add3A_56, %max3A_58 : vector<2688x64xf32>
    %dot_general3A_60 = arith.constant dense<0.000000e+00> : vector<2688x64xf32>
    %dot_general3A_61 = tpu.matmul %max3A_59, %get3A_7, %dot_general3A_60 {dimension_numbers = #tpu.dot_dimension_numbers<[1], [0], [0], [1], [0, 0, 1, 1], [], []>, transpose_lhs_hint = false} : vector<2688x64xf32>, vector<64x64xf32>, vector<2688x64xf32> -> vector<2688x64xf32>
    %broadcast_in_dim3A_62 = vector.shape_cast %get3A_15 : vector<64xf32> to vector<1x64xf32>
    %add3A_63 = vector.broadcast %broadcast_in_dim3A_62 : vector<1x64xf32> to vector<2688x64xf32>
    %add3A_64 = arith.addf %dot_general3A_61, %add3A_63 : vector<2688x64xf32>
    %max3A_65 = arith.constant 0.000000e+00 : f32
    %max3A_66 = vector.broadcast %max3A_65 : f32 to vector<2688x64xf32>
    %max3A_67 = arith.maximumf %add3A_64, %max3A_66 : vector<2688x64xf32>
    %reshape3A_68 = vector.shape_cast %max3A_48 : vector<2560x64xf32> to vector<128x20x64xf32>
    %reshape3A_69 = vector.shape_cast %max3A_67 : vector<2688x64xf32> to vector<128x21x64xf32>
    %slice3A_70 = vector.extract_strided_slice %reshape3A_69 {offsets = [0, 20, 0], sizes = [128, 1, 64], strides = [1, 1, 1]} : vector<128x21x64xf32> to vector<128x1x64xf32>
    %squeeze3A = vector.shape_cast %slice3A_70 : vector<128x1x64xf32> to vector<128x64xf32>
    %reduce_sum3A = arith.constant dense<0.000000e+00> : vector<128x64xf32>
    %reduce_sum3A_71 = vector.multi_reduction <add>, %reshape3A_68, %reduce_sum3A [1] : vector<128x20x64xf32> to vector<128x64xf32>
    %reduce_sum3A_72 = arith.constant dense<0.000000e+00> : vector<128x64xf32>
    %reduce_sum3A_73 = vector.multi_reduction <add>, %reshape3A_69, %reduce_sum3A_72 [1] : vector<128x21x64xf32> to vector<128x64xf32>
    %add3A_74 = arith.addf %reduce_sum3A_71, %reduce_sum3A_73 : vector<128x64xf32>
    %sub3A = arith.subf %add3A_74, %squeeze3A : vector<128x64xf32>
    %slice3A_75 = vector.extract_strided_slice %get3A_29 {offsets = [0, 0], sizes = [2560, 64], strides = [1, 1]} : vector<5248x64xf32> to vector<2560x64xf32>
    %slice3A_76 = vector.extract_strided_slice %get3A_26 {offsets = [2560, 0], sizes = [2688, 64], strides = [1, 1]} : vector<5248x64xf32> to vector<2688x64xf32>
    %slice3A_77 = vector.extract_strided_slice %get3A_23 {offsets = [0, 0, 0], sizes = [128, 20, 64], strides = [1, 1, 1]} : vector<128x61x64xf32> to vector<128x20x64xf32>
    %reshape3A_78 = vector.shape_cast %slice3A_77 : vector<128x20x64xf32> to vector<2560x64xf32>
    %slice3A_79 = vector.extract_strided_slice %get3A_23 {offsets = [0, 20, 0], sizes = [128, 21, 64], strides = [1, 1, 1]} : vector<128x61x64xf32> to vector<128x21x64xf32>
    %reshape3A_80 = vector.shape_cast %slice3A_79 : vector<128x21x64xf32> to vector<2688x64xf32>
    %dot_general3A_81 = arith.constant dense<0.000000e+00> : vector<2560x64xf32>
    %dot_general3A_82 = tpu.matmul %reshape3A_78, %get3A_1, %dot_general3A_81 {dimension_numbers = #tpu.dot_dimension_numbers<[1], [0], [0], [1], [0, 0, 1, 1], [], []>, transpose_lhs_hint = false} : vector<2560x64xf32>, vector<64x64xf32>, vector<2560x64xf32> -> vector<2560x64xf32>
    %dot_general3A_83 = arith.constant dense<0.000000e+00> : vector<2560x64xf32>
    %dot_general3A_84 = tpu.matmul %slice3A_75, %get3A_4, %dot_general3A_83 {dimension_numbers = #tpu.dot_dimension_numbers<[1], [0], [0], [1], [0, 0, 1, 1], [], []>, transpose_lhs_hint = false} : vector<2560x64xf32>, vector<64x64xf32>, vector<2560x64xf32> -> vector<2560x64xf32>
    %add3A_85 = arith.addf %dot_general3A_82, %dot_general3A_84 : vector<2560x64xf32>
    %broadcast_in_dim3A_86 = vector.shape_cast %get3A_11 : vector<64xf32> to vector<1x64xf32>
    %add3A_87 = vector.broadcast %broadcast_in_dim3A_86 : vector<1x64xf32> to vector<2560x64xf32>
    %add3A_88 = arith.addf %add3A_85, %add3A_87 : vector<2560x64xf32>
    %max3A_89 = arith.constant 0.000000e+00 : f32
    %max3A_90 = vector.broadcast %max3A_89 : f32 to vector<2560x64xf32>
    %max3A_91 = arith.maximumf %add3A_88, %max3A_90 : vector<2560x64xf32>
    %dot_general3A_92 = arith.constant dense<0.000000e+00> : vector<2560x64xf32>
    %dot_general3A_93 = tpu.matmul %max3A_91, %get3A_7, %dot_general3A_92 {dimension_numbers = #tpu.dot_dimension_numbers<[1], [0], [0], [1], [0, 0, 1, 1], [], []>, transpose_lhs_hint = false} : vector<2560x64xf32>, vector<64x64xf32>, vector<2560x64xf32> -> vector<2560x64xf32>
    %broadcast_in_dim3A_94 = vector.shape_cast %get3A_15 : vector<64xf32> to vector<1x64xf32>
    %add3A_95 = vector.broadcast %broadcast_in_dim3A_94 : vector<1x64xf32> to vector<2560x64xf32>
    %add3A_96 = arith.addf %dot_general3A_93, %add3A_95 : vector<2560x64xf32>
    %max3A_97 = arith.constant 0.000000e+00 : f32
    %max3A_98 = vector.broadcast %max3A_97 : f32 to vector<2560x64xf32>
    %max3A_99 = arith.maximumf %add3A_96, %max3A_98 : vector<2560x64xf32>
    %dot_general3A_100 = arith.constant dense<0.000000e+00> : vector<2688x64xf32>
    %dot_general3A_101 = tpu.matmul %reshape3A_80, %get3A_1, %dot_general3A_100 {dimension_numbers = #tpu.dot_dimension_numbers<[1], [0], [0], [1], [0, 0, 1, 1], [], []>, transpose_lhs_hint = false} : vector<2688x64xf32>, vector<64x64xf32>, vector<2688x64xf32> -> vector<2688x64xf32>
    %dot_general3A_102 = arith.constant dense<0.000000e+00> : vector<2688x64xf32>
    %dot_general3A_103 = tpu.matmul %slice3A_76, %get3A_4, %dot_general3A_102 {dimension_numbers = #tpu.dot_dimension_numbers<[1], [0], [0], [1], [0, 0, 1, 1], [], []>, transpose_lhs_hint = false} : vector<2688x64xf32>, vector<64x64xf32>, vector<2688x64xf32> -> vector<2688x64xf32>
    %add3A_104 = arith.addf %dot_general3A_101, %dot_general3A_103 : vector<2688x64xf32>
    %broadcast_in_dim3A_105 = vector.shape_cast %get3A_11 : vector<64xf32> to vector<1x64xf32>
    %add3A_106 = vector.broadcast %broadcast_in_dim3A_105 : vector<1x64xf32> to vector<2688x64xf32>
    %add3A_107 = arith.addf %add3A_104, %add3A_106 : vector<2688x64xf32>
    %max3A_108 = arith.constant 0.000000e+00 : f32
    %max3A_109 = vector.broadcast %max3A_108 : f32 to vector<2688x64xf32>
    %max3A_110 = arith.maximumf %add3A_107, %max3A_109 : vector<2688x64xf32>
    %dot_general3A_111 = arith.constant dense<0.000000e+00> : vector<2688x64xf32>
    %dot_general3A_112 = tpu.matmul %max3A_110, %get3A_7, %dot_general3A_111 {dimension_numbers = #tpu.dot_dimension_numbers<[1], [0], [0], [1], [0, 0, 1, 1], [], []>, transpose_lhs_hint = false} : vector<2688x64xf32>, vector<64x64xf32>, vector<2688x64xf32> -> vector<2688x64xf32>
    %broadcast_in_dim3A_113 = vector.shape_cast %get3A_15 : vector<64xf32> to vector<1x64xf32>
    %add3A_114 = vector.broadcast %broadcast_in_dim3A_113 : vector<1x64xf32> to vector<2688x64xf32>
    %add3A_115 = arith.addf %dot_general3A_112, %add3A_114 : vector<2688x64xf32>
    %max3A_116 = arith.constant 0.000000e+00 : f32
    %max3A_117 = vector.broadcast %max3A_116 : f32 to vector<2688x64xf32>
    %max3A_118 = arith.maximumf %add3A_115, %max3A_117 : vector<2688x64xf32>
    %reshape3A_119 = vector.shape_cast %max3A_99 : vector<2560x64xf32> to vector<128x20x64xf32>
    %reshape3A_120 = vector.shape_cast %max3A_118 : vector<2688x64xf32> to vector<128x21x64xf32>
    %slice3A_121 = vector.extract_strided_slice %reshape3A_120 {offsets = [0, 20, 0], sizes = [128, 1, 64], strides = [1, 1, 1]} : vector<128x21x64xf32> to vector<128x1x64xf32>
    %squeeze3A_122 = vector.shape_cast %slice3A_121 : vector<128x1x64xf32> to vector<128x64xf32>
    %reduce_sum3A_123 = arith.constant dense<0.000000e+00> : vector<128x64xf32>
    %reduce_sum3A_124 = vector.multi_reduction <add>, %reshape3A_119, %reduce_sum3A_123 [1] : vector<128x20x64xf32> to vector<128x64xf32>
    %reduce_sum3A_125 = arith.constant dense<0.000000e+00> : vector<128x64xf32>
    %reduce_sum3A_126 = vector.multi_reduction <add>, %reshape3A_120, %reduce_sum3A_125 [1] : vector<128x21x64xf32> to vector<128x64xf32>
    %add3A_127 = arith.addf %reduce_sum3A_124, %reduce_sum3A_126 : vector<128x64xf32>
    %sub3A_128 = arith.subf %add3A_127, %squeeze3A_122 : vector<128x64xf32>
    %get3A_129 = arith.constant 0 : index
    %get3A_130 = arith.constant 0 : index
    %get3A_131 = vector.load %arg7[%get3A_129, %get3A_130] : memref<128x64xf32, #tpu.memory_space<vmem>>, vector<64x64xf32>
    %get3A_132 = arith.constant 64 : index
    %get3A_133 = arith.constant 0 : index
    %get3A_134 = vector.load %arg7[%get3A_132, %get3A_133] : memref<128x64xf32, #tpu.memory_space<vmem>>, vector<64x64xf32>
    %get3A_135 = arith.constant 0 : index
    %get3A_136 = arith.constant 0 : index
    %get3A_137 = vector.load %arg8[%get3A_135, %get3A_136] : memref<64x64xf32, #tpu.memory_space<vmem>>, vector<64x64xf32>
    %get3A_138 = arith.constant 0 : index
    %get3A_139 = arith.constant 0 : index
    %get3A_140 = vector.load %arg11[%get3A_138, %get3A_139] : memref<1x64xf32, #tpu.memory_space<vmem>>, vector<1x64xf32>
    %get3A_141 = vector.shape_cast %get3A_140 : vector<1x64xf32> to vector<64xf32>
    %get3A_142 = arith.constant 0 : index
    %get3A_143 = arith.constant 0 : index
    %get3A_144 = vector.load %arg12[%get3A_142, %get3A_143] : memref<1x64xf32, #tpu.memory_space<vmem>>, vector<1x64xf32>
    %get3A_145 = vector.shape_cast %get3A_144 : vector<1x64xf32> to vector<64xf32>
    %dot_general3A_146 = arith.constant dense<0.000000e+00> : vector<128x64xf32>
    %dot_general3A_147 = tpu.matmul %squeeze3A, %get3A_131, %dot_general3A_146 {dimension_numbers = #tpu.dot_dimension_numbers<[1], [0], [0], [1], [0, 0, 1, 1], [], []>, transpose_lhs_hint = false} : vector<128x64xf32>, vector<64x64xf32>, vector<128x64xf32> -> vector<128x64xf32>
    %dot_general3A_148 = arith.constant dense<0.000000e+00> : vector<128x64xf32>
    %dot_general3A_149 = tpu.matmul %sub3A, %get3A_134, %dot_general3A_148 {dimension_numbers = #tpu.dot_dimension_numbers<[1], [0], [0], [1], [0, 0, 1, 1], [], []>, transpose_lhs_hint = false} : vector<128x64xf32>, vector<64x64xf32>, vector<128x64xf32> -> vector<128x64xf32>
    %add3A_150 = arith.addf %dot_general3A_147, %dot_general3A_149 : vector<128x64xf32>
    %broadcast_in_dim3A_151 = vector.shape_cast %get3A_141 : vector<64xf32> to vector<1x64xf32>
    %add3A_152 = vector.broadcast %broadcast_in_dim3A_151 : vector<1x64xf32> to vector<128x64xf32>
    %add3A_153 = arith.addf %add3A_150, %add3A_152 : vector<128x64xf32>
    %max3A_154 = arith.constant 0.000000e+00 : f32
    %max3A_155 = vector.broadcast %max3A_154 : f32 to vector<128x64xf32>
    %max3A_156 = arith.maximumf %add3A_153, %max3A_155 : vector<128x64xf32>
    %dot_general3A_157 = arith.constant dense<0.000000e+00> : vector<128x64xf32>
    %dot_general3A_158 = tpu.matmul %max3A_156, %get3A_137, %dot_general3A_157 {dimension_numbers = #tpu.dot_dimension_numbers<[1], [0], [0], [1], [0, 0, 1, 1], [], []>, transpose_lhs_hint = false} : vector<128x64xf32>, vector<64x64xf32>, vector<128x64xf32> -> vector<128x64xf32>
    %broadcast_in_dim3A_159 = vector.shape_cast %get3A_145 : vector<64xf32> to vector<1x64xf32>
    %add3A_160 = vector.broadcast %broadcast_in_dim3A_159 : vector<1x64xf32> to vector<128x64xf32>
    %add3A_161 = arith.addf %dot_general3A_158, %add3A_160 : vector<128x64xf32>
    %max3A_162 = arith.constant 0.000000e+00 : f32
    %max3A_163 = vector.broadcast %max3A_162 : f32 to vector<128x64xf32>
    %max3A_164 = arith.maximumf %add3A_161, %max3A_163 : vector<128x64xf32>
    %dot_general3A_165 = arith.constant dense<0.000000e+00> : vector<128x64xf32>
    %dot_general3A_166 = tpu.matmul %squeeze3A_122, %get3A_131, %dot_general3A_165 {dimension_numbers = #tpu.dot_dimension_numbers<[1], [0], [0], [1], [0, 0, 1, 1], [], []>, transpose_lhs_hint = false} : vector<128x64xf32>, vector<64x64xf32>, vector<128x64xf32> -> vector<128x64xf32>
    %dot_general3A_167 = arith.constant dense<0.000000e+00> : vector<128x64xf32>
    %dot_general3A_168 = tpu.matmul %sub3A_128, %get3A_134, %dot_general3A_167 {dimension_numbers = #tpu.dot_dimension_numbers<[1], [0], [0], [1], [0, 0, 1, 1], [], []>, transpose_lhs_hint = false} : vector<128x64xf32>, vector<64x64xf32>, vector<128x64xf32> -> vector<128x64xf32>
    %add3A_169 = arith.addf %dot_general3A_166, %dot_general3A_168 : vector<128x64xf32>
    %broadcast_in_dim3A_170 = vector.shape_cast %get3A_141 : vector<64xf32> to vector<1x64xf32>
    %add3A_171 = vector.broadcast %broadcast_in_dim3A_170 : vector<1x64xf32> to vector<128x64xf32>
    %add3A_172 = arith.addf %add3A_169, %add3A_171 : vector<128x64xf32>
    %max3A_173 = arith.constant 0.000000e+00 : f32
    %max3A_174 = vector.broadcast %max3A_173 : f32 to vector<128x64xf32>
    %max3A_175 = arith.maximumf %add3A_172, %max3A_174 : vector<128x64xf32>
    %dot_general3A_176 = arith.constant dense<0.000000e+00> : vector<128x64xf32>
    %dot_general3A_177 = tpu.matmul %max3A_175, %get3A_137, %dot_general3A_176 {dimension_numbers = #tpu.dot_dimension_numbers<[1], [0], [0], [1], [0, 0, 1, 1], [], []>, transpose_lhs_hint = false} : vector<128x64xf32>, vector<64x64xf32>, vector<128x64xf32> -> vector<128x64xf32>
    %broadcast_in_dim3A_178 = vector.shape_cast %get3A_145 : vector<64xf32> to vector<1x64xf32>
    %add3A_179 = vector.broadcast %broadcast_in_dim3A_178 : vector<1x64xf32> to vector<128x64xf32>
    %add3A_180 = arith.addf %dot_general3A_177, %add3A_179 : vector<128x64xf32>
    %max3A_181 = arith.constant 0.000000e+00 : f32
    %max3A_182 = vector.broadcast %max3A_181 : f32 to vector<128x64xf32>
    %max3A_183 = arith.maximumf %add3A_180, %max3A_182 : vector<128x64xf32>
    %mul3A = arith.mulf %max3A_164, %max3A_183 : vector<128x64xf32>
    %reduce_sum3A_184 = arith.constant dense<0.000000e+00> : vector<128xf32>
    %reduce_sum3A_185 = vector.multi_reduction <add>, %mul3A, %reduce_sum3A_184 [1] : vector<128x64xf32> to vector<128xf32>
    %swap3A = arith.constant 0 : index
    %swap3A_186 = vector.load %arg13[%swap3A] : memref<128xf32, #tpu.memory_space<vmem>>, vector<128xf32>
    tpu.vector_store %arg13[%swap3A], %reduce_sum3A_185 {strides = array<i32>} : memref<128xf32, #tpu.memory_space<vmem>>, vector<128xf32>,
    return
  }
  func.func @transform_0(%arg0: i32) -> (i32, i32, i32) {
    %c0_i32 = arith.constant 0 : i32
    %c0_i32_0 = arith.constant 0 : i32
    %c0_i32_1 = arith.constant 0 : i32
    return %arg0, %c0_i32, %c0_i32_0 : i32, i32, i32
  }
  func.func @transform_1(%arg0: i32) -> (i32, i32, i32) {
    %c0_i32 = arith.constant 0 : i32
    %c0_i32_0 = arith.constant 0 : i32
    %c0_i32_1 = arith.constant 0 : i32
    return %arg0, %c0_i32, %c0_i32_0 : i32, i32, i32
  }
  func.func @transform_2(%arg0: i32) -> (i32, i32) {
    %c0_i32 = arith.constant 0 : i32
    %c0_i32_0 = arith.constant 0 : i32
    return %arg0, %c0_i32 : i32, i32
  }
  func.func @transform_3(%arg0: i32) -> (i32, i32) {
    %c0_i32 = arith.constant 0 : i32
    %c0_i32_0 = arith.constant 0 : i32
    return %arg0, %c0_i32 : i32, i32
  }
  func.func @transform_4(%arg0: i32) -> (i32, i32) {
    %c0_i32 = arith.constant 0 : i32
    %c0_i32_0 = arith.constant 0 : i32
    %c0_i32_1 = arith.constant 0 : i32
    return %c0_i32, %c0_i32_0 : i32, i32
  }
  func.func @transform_5(%arg0: i32) -> (i32, i32) {
    %c0_i32 = arith.constant 0 : i32
    %c0_i32_0 = arith.constant 0 : i32
    %c0_i32_1 = arith.constant 0 : i32
    return %c0_i32, %c0_i32_0 : i32, i32
  }
  func.func @transform_6(%arg0: i32) -> (i32, i32) {
    %c0_i32 = arith.constant 0 : i32
    %c0_i32_0 = arith.constant 0 : i32
    %c0_i32_1 = arith.constant 0 : i32
    return %c0_i32, %c0_i32_0 : i32, i32
  }
  func.func @transform_7(%arg0: i32) -> (i32, i32) {
    %c0_i32 = arith.constant 0 : i32
    %c0_i32_0 = arith.constant 0 : i32
    %c0_i32_1 = arith.constant 0 : i32
    return %c0_i32, %c0_i32_0 : i32, i32
  }
  func.func @transform_8(%arg0: i32) -> (i32, i32) {
    %c0_i32 = arith.constant 0 : i32
    %c0_i32_0 = arith.constant 0 : i32
    %c0_i32_1 = arith.constant 0 : i32
    return %c0_i32, %c0_i32_0 : i32, i32
  }
  func.func @transform_9(%arg0: i32) -> (i32, i32) {
    %c0_i32 = arith.constant 0 : i32
    %c0_i32_0 = arith.constant 0 : i32
    %c0_i32_1 = arith.constant 0 : i32
    return %c0_i32, %c0_i32_0 : i32, i32
  }
  func.func @transform_10(%arg0: i32) -> (i32, i32) {
    %c0_i32 = arith.constant 0 : i32
    %c0_i32_0 = arith.constant 0 : i32
    %c0_i32_1 = arith.constant 0 : i32
    return %c0_i32, %c0_i32_0 : i32, i32
  }
  func.func @transform_11(%arg0: i32) -> (i32, i32) {
    %c0_i32 = arith.constant 0 : i32
    %c0_i32_0 = arith.constant 0 : i32
    %c0_i32_1 = arith.constant 0 : i32
    return %c0_i32, %c0_i32_0 : i32, i32
  }
  func.func @transform_12(%arg0: i32) -> i32 {
    %c0_i32 = arith.constant 0 : i32
    return %arg0 : i32
  }
}

</mosaic_0001>

<sc_bundles>
// kernel: kernel.4.cloned.1.call-start
scs
__scs_entry_jumppad:
0x0: {  	(pc) =	sbr.rel $0x88, $3  }
0x1: {  	(tag) =	ssettag $0x0;
	lr =	simm.s32 $0x1  }
0x2: {  	[smem:$0x3F8F] =	sst lr;
	_ =	strace $0xD0000000  }
0x3: {  	_ = 	snop  }
0x4: {  	_ = 	snop  }
0x5: {  	_ = 	snop  }
0x6: {  	_ = 	snop  }
0x7: {  	_ = 	snop  }
__scs_overlays_trampoline_lowered:
0x8: {  	[smem:$0x3F9E] =	sst s0  }
0x9: {  	[smem:$0x3F9F] =	sst s1  }
0xa: {  	[smem:$0x3FA0] =	sst s2  }
0xb: {  	[smem:$0x3FA1] =	sst s3  }
0xc: {  	[smem:$0x3FA2] =	sst s4  }
0xd: {  	[smem:$0x3FA3] =	sst s5  }
0xe: {  	[smem:$0x3FA4] =	sst s6  }
0xf: {  	[smem:$0x3FA5] =	sst s7  }
0x10: {  	[smem:$0x3FA6] =	sst s8  }
0x11: {  	[smem:$0x3FA7] =	sst s9;
	s0 =	simm.s32 @!p0 $0x0  }
0x12: {  	s1 =	sld [smem:$0x3F8D];
	s0 =	simm.s32 @p0 $0x1  }
0x13: {  	[smem:$0x3FA8] =	sst s0;
	s0 =	simm.s32 @!p1 $0x0  }
0x14: {  	s2 =	sld [smem:$0x3F8C];
	s0 =	simm.s32 @p1 $0x1  }
0x15: {  	[smem:$0x3FA9] =	sst s0;
	s0 =	simm.s32 @!p2 $0x0  }
0x16: {  	s3 =	sld [smem:$0x3FDB];
	s0 =	simm.s32 @p2 $0x1  }
0x17: {  	s4 =	simm.s32 $0x1BF5;
	[smem:$0x3FAB] =	sst s0  }
0x18: {  	s0 =	sld [smem:$0x3F8E];
	_ =	swait.ge [sflag:s4], $0x0  }
0x19: {  	s7 =	sld [smem:$0x3F8F]  }
0x1a: {  	s8 =	sadd.s32 $0xFFFFE003, lr  }
0x1b: {  	s9 =	sadd.s32 $0xFFFFFEF7, lr;
	s5 =	simm.s32 $0xFFFFFFFF;
	p2 =	slt.u32 s8, $0xFFFFF086  }
0x1c: {  	p1 =	slt.u32 s9, $0xF7A;
	s5 =	simm.s32 @!p2 $0x0  }
0x1d: {  	s5 =	simm.s32 @p1 $0x1;
	p0 =	seq.s32 s7, s2  }
0x1e: {  	s7 =	smul.u32 @!p0 $0xF7A, s2;
	p2 =	seq.s32 @!p0 s5, $0x0  }
0x1f: {  	s9 =	smul.u32 $0xF7A, s1;
	s8 =	simm.s32 @!p0 $0x1BF5;
	p2 =	por !p2, p0  }
0x20: {  	[sflag:s8] =	ssyncset.s32 @!p0 $0xFFFFF086;
	s6 =	sadd.s32 @!p0 s3, s7;
	s7 =	simm.s32 @!p0 $0x108  }
0x21: {  	s3 =	sadd.s32 s3, s9;
	s6 =	sadd.s32 @!p0 $0x88, s6;
	s7 =	simm.s32 @p2 $0x1082  }
0x22: {  	[simem:s7], [sflag:s8] =	dma.local @!p0 [hbm:s6], $0xF7A  }
0x23: {  	s9 =	sor.u32 $0xD0000000, s2;
	s6 =	simm.s32 $0x108;
	_ =	swait.ge @!p0 [sflag:s8], $0x0  }
0x24: {  	s3 =	sadd.s32 $0x88, s3;
	s6 =	simm.s32 @!p1 $0x1082;
	[sflag:s4] =	ssyncset.s32 $0xFFFFF086  }
0x25: {  	[simem:s6], [sflag:s4] =	dma.local [hbm:s3], $0xF7A  }
0x26: {  	[smem:$0x3F8F] =	sst s1;
	(tag) =	ssettag s2;
	_ =	strace s9  }
0x27: {  	s1 =	sld [smem:$0x3F9F]  }
0x28: {  	s2 =	sld [smem:$0x3FA0]  }
0x29: {  	s4 =	sld [smem:$0x3FA2]  }
0x2a: {  	p0 =	seq.s32 s5, $0x0;
	s5 =	sld [smem:$0x3FA3]  }
0x2b: {  	s6 =	sld [smem:$0x3FA4]  }
0x2c: {  	s7 =	sld [smem:$0x3FA5]  }
0x2d: {  	s3 =	simm.s32 $0x108;
	s8 =	sld [smem:$0x3FA6]  }
0x2e: {  	s3 =	simm.s32 @!p0 $0x1082;
	s9 =	sld [smem:$0x3FA7]  }
0x2f: {  	lr =	sadd.s32 s0, s3;
	s0 =	sld [smem:$0x3F9E]  }
0x30: {  	s3 =	sld [smem:$0x3FA1]  }
0x31: {  	[smem:$0x3FAA] =	sst s10  }
0x32: {  	s10 =	sld [smem:$0x3FA8];
	_ =	sdelay $0x3  }
0x33: {  	p0 =	seq.s32 s10, $0x1;
	s10 =	sld [smem:$0x3FAA];
	_ =	sdelay $0x3  }
0x34: {  	[smem:$0x3FAA] =	sst s10  }
0x35: {  	s10 =	sld [smem:$0x3FA9];
	_ =	sdelay $0x3  }
0x36: {  	p1 =	seq.s32 s10, $0x1;
	s10 =	sld [smem:$0x3FAA];
	_ =	sdelay $0x3  }
0x37: {  	[smem:$0x3FAA] =	sst s10  }
0x38: {  	s10 =	sld [smem:$0x3FAB]  }
0x39: {  	_ = 	snop;
	(pc) =	sbr.ind lr, $3  }
0x3a: {  	_ = 	snop  }
0x3b: {  	_ = 	snop  }
0x3c: {  	p2 =	seq.s32 s10, $0x1;
	s10 =	sld [smem:$0x3FAA]  }
0x3d: {  	_ =	shalt  }
0x3e: {  	_ =	shalt  }
0x3f: {  	_ =	shalt  }
0x40: {  	_ =	shalt  }
0x41: {  	_ =	shalt  }
0x42: {  	_ =	shalt  }
0x43: {  	_ =	shalt  }
0x44: {  	_ =	shalt  }
0x45: {  	_ =	shalt  }
0x46: {  	_ =	shalt  }
0x47: {  	_ =	shalt  }
0x48: {  	_ =	shalt  }
0x49: {  	_ =	shalt  }
0x4a: {  	_ =	shalt  }
0x4b: {  	_ =	shalt  }
0x4c: {  	_ =	shalt  }
0x4d: {  	_ =	shalt  }
0x4e: {  	_ =	shalt  }
0x4f: {  	_ =	shalt  }
0x50: {  	_ =	shalt  }
0x51: {  	_ =	shalt  }
0x52: {  	_ =	shalt  }
0x53: {  	_ =	shalt  }
0x54: {  	_ =	shalt  }
0x55: {  	_ =	shalt  }
0x56: {  	_ =	shalt  }
0x57: {  	_ =	shalt  }
0x58: {  	_ =	shalt  }
0x59: {  	_ =	shalt  }
0x5a: {  	_ =	shalt  }
0x5b: {  	_ =	shalt  }
0x5c: {  	_ =	shalt  }
0x5d: {  	_ =	shalt  }
0x5e: {  	_ =	shalt  }
0x5f: {  	_ =	shalt  }
0x60: {  	_ =	shalt  }
0x61: {  	_ =	shalt  }
0x62: {  	_ =	shalt  }
0x63: {  	_ =	shalt  }
0x64: {  	_ =	shalt  }
0x65: {  	_ =	shalt  }
0x66: {  	_ =	shalt  }
0x67: {  	_ =	shalt  }
0x68: {  	_ =	shalt  }
0x69: {  	_ =	shalt  }
0x6a: {  	_ =	shalt  }
0x6b: {  	_ =	shalt  }
0x6c: {  	_ =	shalt  }
0x6d: {  	_ =	shalt  }
0x6e: {  	_ =	shalt  }
0x6f: {  	_ =	shalt  }
0x70: {  	_ =	shalt  }
0x71: {  	_ =	shalt  }
0x72: {  	_ =	shalt  }
0x73: {  	_ =	shalt  }
0x74: {  	_ =	shalt  }
0x75: {  	_ =	shalt  }
0x76: {  	_ =	shalt  }
0x77: {  	_ =	shalt  }
0x78: {  	_ =	shalt  }
0x79: {  	_ =	shalt  }
0x7a: {  	_ =	shalt  }
0x7b: {  	_ =	shalt  }
0x7c: {  	_ =	shalt  }
0x7d: {  	_ =	shalt  }
0x7e: {  	_ =	shalt  }
0x7f: {  	_ =	shalt  }
0x80: {  	_ =	shalt  }
0x81: {  	_ =	shalt  }
0x82: {  	_ =	shalt  }
0x83: {  	_ =	shalt  }
0x84: {  	_ =	shalt  }
0x85: {  	_ =	shalt  }
0x86: {  	_ =	shalt  }
0x87: {  	_ =	shalt  }
.Lfunc_end0:
.L_simem_size_0:
called_computation_lowered:
.L_overlay_start_0:
0x88: {  	s2 =	sld [smem:$0x3FD9]  }
0x89: {  	s3 =	sld [smem:$0x3FFE];
	_ =	sdelay $0x1  }
0x8a: {  	s1 =	srdreg.scid  }
0x8b: {  	s0 =	sand.u32 $0x1, s1  }
0x8c: {  	s16 =	sshll.u32 s0, $0xA;
	s2 =	sadd.s32 s3, s2  }
0x8d: {  	s2 =	sadd.s32 s2, s16  }
0x8e: {  	[smem:$0x3FB6] =	sst s2  }
0x8f: {  	_ = 	snop  }
0x90: {  	(tm) =	ssettm $0x1  }
0x91: {  	s17 =	sld [smem:$0x3FFB];
	_ =	sdelay $0x3  }
0x92: {  	_ =	strace s17  }
0x93: {  	s2 =	sld [smem:$0x3FFC];
	_ =	sdelay $0x3  }
0x94: {  	_ =	strace s2  }
0x95: {  	s2 =	sld [smem:$0x3FFD];
	_ =	sdelay $0x3  }
0x96: {  	_ =	strace s2  }
0x97: {  	_ =	strace $0x8FFFFFFF  }
0x98: {  	s18 =	sld [smem:$0x3FDB];
	_ =	sdelay $0x1  }
0x99: {  	s19 =	simm.s32 $_scs_section_size  }
0x9a: {  	s4 =	simm.s32 $_size__tile_overlayer_lowered;
	s5 =	simm.s32 $_tile_overlayer_lowered  }
0x9b: {  	s22 =	simm.s32 $0x1BFF;
	s21 =	sshll.u32 s5, $0x1;
	s2 =	sadd.s32 s19, s18  }
0x9c: {  	s6 =	simm.s32 $0x0;
	s20 =	sshll.u32 s4, $0x1;
	s4 =	sadd.s32 s21, s2  }
0x9d: {  	[timem:s6], [sflag:s22] =	dma.local [hbm:s4], s20  }
0x9e: {  	_ =	swait.ge [sflag:s22], s20  }
0x9f: {  	s3 =	ssub.s32 $0x0, s20;
	[sflag:s22] =	ssyncset.done $0x0  }
0xa0: {  	[sflag:s22] =	ssyncadd.s32 s3;
	_ =	sdelay $0x1  }
0xa1: {  	s23 =	simm.s32 $0x1B8B  }
0xa2: {  	_ =	swait.ge [sflag:s23], $0x1  }
0xa3: {  	[sflag:s23] =	ssyncset.done $0x0  }
0xa4: {  	s25 =	simm.s32 $0x1B8E;
	s24 =	sld [smem:$0x3FFE];
	[sflag:s23] =	ssyncadd.s32 $0xFFFFFFFF  }
0xa5: {  	s26 =	simm.s32 $execute0_lowered;
	[smem:$0x3FD2] =	sst s25  }
0xa6: {  	s4 =	sshll.u32 s26, $0x1;
	_ =	strace $0x80000046;
	[dreg:$0x1] =	wrdreg $0xFFFFFFFF  }
0xa7: {  	s28 =	simm.s32 $_size_execute0_lowered;
	s2 =	sadd.s32 s2, s4;
	[dreg:$0x0] =	wrdreg $0x0  }
0xa8: {  	s4 =	sshll.u32 s28, $0x1;
	[dreg:$0x2] =	wrdreg s2  }
0xa9: {  	[dreg:$0x3] =	wrdreg s4  }
0xaa: {  	[dreg:$0x4] =	wrdreg $0xC0  }
0xab: {  	_ =	task [dreg:s6], $0x5FFFF  }
0xac: {  	[dreg:$0x1] =	wrdreg $0xFFFFFFFF  }
0xad: {  	[dreg:$0x0] =	wrdreg $0x60  }
0xae: {  	[dreg:$0x2] =	wrdreg s24  }
0xaf: {  	[dreg:$0x3] =	wrdreg $0x9  }
0xb0: {  	_ =	task.clear_ibuf [dreg:s6], $0x4FFFF;
	_ =	strace $0x90000046  }
0xb1: {  	s29 =	simm.s32 $0x9;
	_ =	strace $0x80000048  }
0xb2: {  	_ =	swait.ge [sflag:s29], $0x1  }
0xb3: {  	[sflag:s29] =	ssyncadd.s32 $0xFFFFFFFF  }
0xb4: {  	_ =	strace $0x90000048  }
0xb5: {  	_ =	sfence  }
0xb6: {  	s30 =	sld [smem:$0x0];
	_ =	sdelay $0x2  }
0xb7: {  	s31 =	sshll.u32 s1, $0xD;
	s1 =	sshrl.u32 s1, $0x2  }
0xb8: {  	s3 =	sand.u32 $0x4000, s31;
	s1 =	sadd.s32 s1, s30  }
0xb9: {  	s0 =	sor.u32 s3, s0;
	s1 =	sshll.u32 s1, $0x11  }
0xba: {  	s0 =	sor.u32 s1, s0  }
0xbb: {  	s0 =	sadd.s32 $0x8F2B, s0  }
0xbc: {  	[sflag:s0] =	ssyncadd.remote.s32 $0x1  }
0xbd: {  	_ =	sfence.sel $0xFFFF  }
0xbe: {  	[dreg:$0x0] =	wrdreg $0xFFFFFFFF;
	(pc) =	sbr.abs _section_cstart, $3  }
0xbf: {  	[dreg:$0x1] =	wrdreg $0xFFFFFFFF  }
0xc0: {  	_ =	task.clear_ibuf [dreg:s6], $0x2FFFF;
	_ =	strace $0x9FFFFFFF  }
0xc1: {  	(tm) =	ssettm $0x7FFFFFFF  }
tec
execute0_lowered:
.L_overlay_start_1:
0x0: {  	(tag) =	ssettag $0x1  }
0x1: {  	s0 =	srdreg.scid  }
0x2: {  	s2 =	stileid.u32;
	s1 =	rddreg [dreg:$0x0]  }
0x3: {  	s8 =	simm.s32 $0x80;
	s10 =	simm.s32 $0x2520;
	s11 =	simm.s32 $0x100  }
0x4: {  	s12 =	simm.s32 $0x4520;
	s13 =	simm.s32 $0x180;
	s14 =	simm.s32 $0x6520  }
0x5: {  	s15 =	simm.s32 $0x200;
	s16 =	simm.s32 $0x8520;
	s17 =	simm.s32 $0x280  }
0x6: {  	s18 =	simm.s32 $0xA520;
	s19 =	simm.s32 $0x300;
	s20 =	simm.s32 $0xC520  }
0x7: {  	s21 =	simm.s32 $0x380;
	s22 =	simm.s32 $0xE520;
	s23 =	simm.s32 $0x400  }
0x8: {  	s24 =	simm.s32 $0x10520;
	p0 =	por $0x0, $0x0;
	s28 =	simm.s32 $0x20  }
0x9: {  	s29 =	simm.s32 $0x500;
	s0 =	sand.u32 $0x1, s0;
	s3 =	sshll.u32 s2, $0x1  }
0xa: {  	s30 =	simm.s32 $0x14520;
	s3 =	sor.u32 s0, s3;
	s0 =	ssub.s32 $0x2, s0  }
0xb: {  	s7 =	simm.s32 $0x1;
	s2 =	simm.s32 $0x0;
	s5 =	sshrl.u32 s0, $0x1  }
0xc: {  	s31 =	sadd.s32 $0x250200, s1;
	s6 =	sadd.s32 $0x18CC00, s1;
	s0 =	ssub.s32 s0, s5  }
0xd: {  	[smem:$0x7FF] =	sst s2;
	s4 =	smul.u32 $0xA4, s3;
	s0 =	smax.u32 s0, $0x1  }
0xe: {  	_ =	strace $0x80000047;
	s3 =	smul.u32 $0x2900, s3;
	p1 =	sne.s32 s0, $0x1  }
.Ltmp0:
0xf: {  	s5 =	simm.s32 $0x520;
	s4 =	sadd.s32 s4, s1;
	(pc) =	sbr.rel @!p1 .LBB2_3-.Ltmp0, $4  }
0x10: {  	s1 =	sadd.s32 s3, s1;
	s3 =	simm.s32 $0x2;
	s25 =	sadd.s32 $0x7800, s4  }
0x11: {  	s26 =	sadd.s32 $0x5AE00, s1;
	s9 =	sadd.s32 $0x6200, s4;
	[dreg:$0x2] =	wrdreg s25  }
0x12: {  	s4 =	sadd.s32 $0x8E00, s1;
	s1 =	sadd.s32 $0xFFFFFFFF, s0;
	[dreg:$0x3] =	wrdreg s26  }
0x13: {  	s25 =	simm.s32 $0x480;
	s26 =	simm.s32 $0x12520;
	s0 =	rddreg [dreg:$0x2]  }
0x14: {  	[tilespmem:s2], [sflag:$0x2] =	stream.linear.gather [hbm4b:s0+s2], $0x520, $0x38;
	[tilespmem:$0x14D20] =	vst v63  }
0x15: {  	_ =	swait.ge [sflag:s3], $0x520  }
0x16: {  	[sflag:s3] =	ssyncset.done $0x0  }
0x17: {  	[sflag:s3] =	ssyncadd.s32 $0xFFFFFAE0  }
0x18: {  	[tilespmem:s5], [sflag:$0x1] =	stream.indirect.gather [hbm4b:s31+s8], $0x40, s2, s8, $0xb8;
	[tilespmem:$0x14D20] =	vst v63  }
0x19: {  	_ = 	snop  }
0x1a: {  	[tilespmem:s10], [sflag:$0x1] =	stream.indirect.gather [hbm4b:s31+s8], $0x40, s8, s8, $0xb8;
	[tilespmem:$0x14D20] =	vst v63  }
0x1b: {  	_ = 	snop  }
0x1c: {  	[tilespmem:s12], [sflag:$0x1] =	stream.indirect.gather [hbm4b:s31+s8], $0x40, s11, s8, $0xb8;
	[tilespmem:$0x14D20] =	vst v63  }
0x1d: {  	_ = 	snop  }
0x1e: {  	[tilespmem:s14], [sflag:$0x1] =	stream.indirect.gather [hbm4b:s31+s8], $0x40, s13, s8, $0xb8;
	[tilespmem:$0x14D20] =	vst v63  }
0x1f: {  	_ = 	snop  }
0x20: {  	[tilespmem:s16], [sflag:$0x1] =	stream.indirect.gather [hbm4b:s31+s8], $0x40, s15, s8, $0xb8;
	[tilespmem:$0x14D20] =	vst v63  }
0x21: {  	_ = 	snop  }
0x22: {  	[tilespmem:s18], [sflag:$0x1] =	stream.indirect.gather [hbm4b:s31+s8], $0x40, s17, s8, $0xb8;
	[tilespmem:$0x14D20] =	vst v63  }
0x23: {  	_ = 	snop  }
0x24: {  	[tilespmem:s20], [sflag:$0x1] =	stream.indirect.gather [hbm4b:s31+s8], $0x40, s19, s8, $0xb8;
	[tilespmem:$0x14D20] =	vst v63  }
0x25: {  	_ = 	snop  }
0x26: {  	[tilespmem:s22], [sflag:$0x1] =	stream.indirect.gather [hbm4b:s31+s8], $0x40, s21, s8, $0xb8;
	[tilespmem:$0x14D20] =	vst v63  }
0x27: {  	_ = 	snop  }
0x28: {  	[tilespmem:s24], [sflag:$0x1] =	stream.indirect.gather [hbm4b:s31+s8], $0x40, s23, s8, $0xb8;
	[tilespmem:$0x14D20] =	vst v63  }
0x29: {  	_ = 	snop  }
0x2a: {  	[tilespmem:s26], [sflag:$0x1] =	stream.indirect.gather [hbm4b:s31+s8], $0x40, s25, s8, $0xb8;
	[tilespmem:$0x14D20] =	vst v63  }
0x2b: {  	_ = 	snop  }
0x2c: {  	[tilespmem:s30], [sflag:$0x1] =	stream.indirect.gather [hbm4b:s31+s28], $0x40, s29, s28, $0xb8;
	[tilespmem:$0x14D20] =	vst v63  }
0x2d: {  	_ =	swait.ge [sflag:s7], $0x2000  }
0x2e: {  	[sflag:s7] =	ssyncset.done $0x0  }
0x2f: {  	[sflag:s7] =	ssyncadd.s32 $0xFFFFE000  }
0x30: {  	_ =	swait.ge [sflag:s7], $0x2000  }
0x31: {  	[sflag:s7] =	ssyncset.done $0x0  }
0x32: {  	[sflag:s7] =	ssyncadd.s32 $0xFFFFE000  }
0x33: {  	_ =	swait.ge [sflag:s7], $0x2000  }
0x34: {  	[sflag:s7] =	ssyncset.done $0x0  }
0x35: {  	[sflag:s7] =	ssyncadd.s32 $0xFFFFE000  }
0x36: {  	_ =	swait.ge [sflag:s7], $0x2000  }
0x37: {  	[sflag:s7] =	ssyncset.done $0x0  }
0x38: {  	[sflag:s7] =	ssyncadd.s32 $0xFFFFE000  }
0x39: {  	_ =	swait.ge [sflag:s7], $0x2000  }
0x3a: {  	[sflag:s7] =	ssyncset.done $0x0  }
0x3b: {  	[sflag:s7] =	ssyncadd.s32 $0xFFFFE000  }
0x3c: {  	_ =	swait.ge [sflag:s7], $0x2000  }
0x3d: {  	[sflag:s7] =	ssyncset.done $0x0  }
0x3e: {  	[sflag:s7] =	ssyncadd.s32 $0xFFFFE000  }
0x3f: {  	_ =	swait.ge [sflag:s7], $0x2000  }
0x40: {  	[sflag:s7] =	ssyncset.done $0x0  }
0x41: {  	[sflag:s7] =	ssyncadd.s32 $0xFFFFE000  }
0x42: {  	_ =	swait.ge [sflag:s7], $0x2000  }
0x43: {  	[sflag:s7] =	ssyncset.done $0x0  }
0x44: {  	[sflag:s7] =	ssyncadd.s32 $0xFFFFE000  }
0x45: {  	_ =	swait.ge [sflag:s7], $0x2000  }
0x46: {  	[sflag:s7] =	ssyncset.done $0x0  }
0x47: {  	[sflag:s7] =	ssyncadd.s32 $0xFFFFE000  }
0x48: {  	_ =	swait.ge [sflag:s7], $0x2000  }
0x49: {  	[sflag:s7] =	ssyncset.done $0x0  }
0x4a: {  	[sflag:s7] =	ssyncadd.s32 $0xFFFFE000  }
0x4b: {  	_ =	swait.ge [sflag:s7], $0x800  }
0x4c: {  	[sflag:s7] =	ssyncset.done $0x0  }
0x4d: {  	s0 =	rddreg [dreg:$0x3];
	[sflag:s7] =	ssyncadd.s32 $0xFFFFF800  }
0x4e: {  	[hbm4b:s0+s2] =	stream.linear.scatter [tilespmem:s5], [sflag:$0x2], $0x14800, $0x38;
	[tilespmem:$0x14D20] =	vst v63  }
0x4f: {  	_ =	swait.ge [sflag:s3], $0x14800  }
0x50: {  	[sflag:s3] =	ssyncset.done $0x0  }
0x51: {  	[sflag:s3] =	ssyncadd.s32 $0xFFFEB800  }
0x52: {  	[tilespmem:s2], [sflag:$0x2] =	stream.linear.gather [hbm4b:s9+s2], $0x520, $0x38;
	[tilespmem:$0x14D20] =	vst v63  }
0x53: {  	_ =	swait.ge [sflag:s3], $0x520  }
0x54: {  	[sflag:s3] =	ssyncset.done $0x0  }
0x55: {  	[sflag:s3] =	ssyncadd.s32 $0xFFFFFAE0  }
0x56: {  	[tilespmem:s5], [sflag:$0x1] =	stream.indirect.gather [hbm4b:s6+s8], $0x40, s2, s8, $0xb8;
	[tilespmem:$0x14D20] =	vst v63  }
0x57: {  	_ = 	snop  }
0x58: {  	[tilespmem:s10], [sflag:$0x1] =	stream.indirect.gather [hbm4b:s6+s8], $0x40, s8, s8, $0xb8;
	[tilespmem:$0x14D20] =	vst v63  }
0x59: {  	_ = 	snop  }
0x5a: {  	[tilespmem:s12], [sflag:$0x1] =	stream.indirect.gather [hbm4b:s6+s8], $0x40, s11, s8, $0xb8;
	[tilespmem:$0x14D20] =	vst v63  }
0x5b: {  	_ = 	snop  }
0x5c: {  	[tilespmem:s14], [sflag:$0x1] =	stream.indirect.gather [hbm4b:s6+s8], $0x40, s13, s8, $0xb8;
	[tilespmem:$0x14D20] =	vst v63  }
0x5d: {  	_ = 	snop  }
0x5e: {  	[tilespmem:s16], [sflag:$0x1] =	stream.indirect.gather [hbm4b:s6+s8], $0x40, s15, s8, $0xb8;
	[tilespmem:$0x14D20] =	vst v63  }
0x5f: {  	_ = 	snop  }
0x60: {  	[tilespmem:s18], [sflag:$0x1] =	stream.indirect.gather [hbm4b:s6+s8], $0x40, s17, s8, $0xb8;
	[tilespmem:$0x14D20] =	vst v63  }
0x61: {  	_ = 	snop  }
0x62: {  	[tilespmem:s20], [sflag:$0x1] =	stream.indirect.gather [hbm4b:s6+s8], $0x40, s19, s8, $0xb8;
	[tilespmem:$0x14D20] =	vst v63  }
0x63: {  	_ = 	snop  }
0x64: {  	[tilespmem:s22], [sflag:$0x1] =	stream.indirect.gather [hbm4b:s6+s8], $0x40, s21, s8, $0xb8;
	[tilespmem:$0x14D20] =	vst v63  }
0x65: {  	_ = 	snop  }
0x66: {  	[tilespmem:s24], [sflag:$0x1] =	stream.indirect.gather [hbm4b:s6+s8], $0x40, s23, s8, $0xb8;
	[tilespmem:$0x14D20] =	vst v63  }
0x67: {  	_ = 	snop  }
0x68: {  	[tilespmem:s26], [sflag:$0x1] =	stream.indirect.gather [hbm4b:s6+s8], $0x40, s25, s8, $0xb8;
	[tilespmem:$0x14D20] =	vst v63  }
0x69: {  	_ = 	snop  }
0x6a: {  	[tilespmem:s30], [sflag:$0x1] =	stream.indirect.gather [hbm4b:s6+s28], $0x40, s29, s28, $0xb8;
	[tilespmem:$0x14D20] =	vst v63  }
0x6b: {  	_ =	swait.ge [sflag:s7], $0x2000  }
0x6c: {  	[sflag:s7] =	ssyncset.done $0x0  }
0x6d: {  	[sflag:s7] =	ssyncadd.s32 $0xFFFFE000  }
0x6e: {  	_ =	swait.ge [sflag:s7], $0x2000  }
0x6f: {  	[sflag:s7] =	ssyncset.done $0x0  }
0x70: {  	[sflag:s7] =	ssyncadd.s32 $0xFFFFE000  }
0x71: {  	_ =	swait.ge [sflag:s7], $0x2000  }
0x72: {  	[sflag:s7] =	ssyncset.done $0x0  }
0x73: {  	[sflag:s7] =	ssyncadd.s32 $0xFFFFE000  }
0x74: {  	_ =	swait.ge [sflag:s7], $0x2000  }
0x75: {  	[sflag:s7] =	ssyncset.done $0x0  }
0x76: {  	[sflag:s7] =	ssyncadd.s32 $0xFFFFE000  }
0x77: {  	_ =	swait.ge [sflag:s7], $0x2000  }
0x78: {  	[sflag:s7] =	ssyncset.done $0x0  }
0x79: {  	[sflag:s7] =	ssyncadd.s32 $0xFFFFE000  }
0x7a: {  	_ =	swait.ge [sflag:s7], $0x2000  }
0x7b: {  	[sflag:s7] =	ssyncset.done $0x0  }
0x7c: {  	[sflag:s7] =	ssyncadd.s32 $0xFFFFE000  }
0x7d: {  	_ =	swait.ge [sflag:s7], $0x2000  }
0x7e: {  	[sflag:s7] =	ssyncset.done $0x0  }
0x7f: {  	[sflag:s7] =	ssyncadd.s32 $0xFFFFE000  }
0x80: {  	_ =	swait.ge [sflag:s7], $0x2000  }
0x81: {  	[sflag:s7] =	ssyncset.done $0x0  }
0x82: {  	[sflag:s7] =	ssyncadd.s32 $0xFFFFE000  }
0x83: {  	_ =	swait.ge [sflag:s7], $0x2000  }
0x84: {  	[sflag:s7] =	ssyncset.done $0x0  }
0x85: {  	[sflag:s7] =	ssyncadd.s32 $0xFFFFE000  }
0x86: {  	_ =	swait.ge [sflag:s7], $0x2000  }
0x87: {  	[sflag:s7] =	ssyncset.done $0x0  }
0x88: {  	[sflag:s7] =	ssyncadd.s32 $0xFFFFE000  }
0x89: {  	p1 =	sne.s32 s1, $0x1;
	_ =	swait.ge [sflag:s7], $0x800  }
.Ltmp1:
0x8a: {  	[sflag:s7] =	ssyncset.done $0x0;
	(pc) =	sbr.rel @!p1 .LBB2_3-.Ltmp1, $4  }
0x8b: {  	[sflag:s7] =	ssyncadd.s32 $0xFFFFF800  }
0x8c: {  	[hbm4b:s4+s2] =	stream.linear.scatter [tilespmem:s5], [sflag:$0x2], $0x14800, $0x38;
	[tilespmem:$0x14D20] =	vst v63  }
0x8d: {  	s1 =	sadd.s32 $0xFFFFFFFF, s1;
	_ =	swait.ge [sflag:s3], $0x14800  }
0x8e: {  	p0 =	por $0x1, $0x1;
	s0 =	rddreg [dreg:$0x2];
	[sflag:s3] =	ssyncset.done $0x0  }
.LBB2_2:
0x8f: {  	[sflag:s3] =	ssyncadd.s32 $0xFFFEB800  }
0x90: {  	[tilespmem:s2], [sflag:$0x2] =	stream.linear.gather [hbm4b:s0+s2], $0x520, $0x38;
	[tilespmem:$0x14D20] =	vst v63  }
0x91: {  	_ =	swait.ge [sflag:s3], $0x520  }
0x92: {  	[sflag:s3] =	ssyncset.done $0x0  }
0x93: {  	[sflag:s3] =	ssyncadd.s32 $0xFFFFFAE0  }
0x94: {  	[tilespmem:s5], [sflag:$0x1] =	stream.indirect.gather [hbm4b:s31+s8], $0x40, s2, s8, $0xb8;
	[tilespmem:$0x14D20] =	vst v63  }
0x95: {  	_ = 	snop  }
0x96: {  	[tilespmem:s10], [sflag:$0x1] =	stream.indirect.gather [hbm4b:s31+s8], $0x40, s8, s8, $0xb8;
	[tilespmem:$0x14D20] =	vst v63  }
0x97: {  	_ = 	snop  }
0x98: {  	[tilespmem:s12], [sflag:$0x1] =	stream.indirect.gather [hbm4b:s31+s8], $0x40, s11, s8, $0xb8;
	[tilespmem:$0x14D20] =	vst v63  }
0x99: {  	_ = 	snop  }
0x9a: {  	[tilespmem:s14], [sflag:$0x1] =	stream.indirect.gather [hbm4b:s31+s8], $0x40, s13, s8, $0xb8;
	[tilespmem:$0x14D20] =	vst v63  }
0x9b: {  	_ = 	snop  }
0x9c: {  	[tilespmem:s16], [sflag:$0x1] =	stream.indirect.gather [hbm4b:s31+s8], $0x40, s15, s8, $0xb8;
	[tilespmem:$0x14D20] =	vst v63  }
0x9d: {  	_ = 	snop  }
0x9e: {  	[tilespmem:s18], [sflag:$0x1] =	stream.indirect.gather [hbm4b:s31+s8], $0x40, s17, s8, $0xb8;
	[tilespmem:$0x14D20] =	vst v63  }
0x9f: {  	_ = 	snop  }
0xa0: {  	[tilespmem:s20], [sflag:$0x1] =	stream.indirect.gather [hbm4b:s31+s8], $0x40, s19, s8, $0xb8;
	[tilespmem:$0x14D20] =	vst v63  }
0xa1: {  	_ = 	snop  }
0xa2: {  	[tilespmem:s22], [sflag:$0x1] =	stream.indirect.gather [hbm4b:s31+s8], $0x40, s21, s8, $0xb8;
	[tilespmem:$0x14D20] =	vst v63  }
0xa3: {  	_ = 	snop  }
0xa4: {  	[tilespmem:s24], [sflag:$0x1] =	stream.indirect.gather [hbm4b:s31+s8], $0x40, s23, s8, $0xb8;
	[tilespmem:$0x14D20] =	vst v63  }
0xa5: {  	_ = 	snop  }
0xa6: {  	[tilespmem:s26], [sflag:$0x1] =	stream.indirect.gather [hbm4b:s31+s8], $0x40, s25, s8, $0xb8;
	[tilespmem:$0x14D20] =	vst v63  }
0xa7: {  	_ = 	snop  }
0xa8: {  	[tilespmem:s30], [sflag:$0x1] =	stream.indirect.gather [hbm4b:s31+s28], $0x40, s29, s28, $0xb8;
	[tilespmem:$0x14D20] =	vst v63  }
0xa9: {  	_ =	swait.ge [sflag:s7], $0x2000  }
0xaa: {  	[sflag:s7] =	ssyncset.done $0x0  }
0xab: {  	[sflag:s7] =	ssyncadd.s32 $0xFFFFE000  }
0xac: {  	_ =	swait.ge [sflag:s7], $0x2000  }
0xad: {  	[sflag:s7] =	ssyncset.done $0x0  }
0xae: {  	[sflag:s7] =	ssyncadd.s32 $0xFFFFE000  }
0xaf: {  	_ =	swait.ge [sflag:s7], $0x2000  }
0xb0: {  	[sflag:s7] =	ssyncset.done $0x0  }
0xb1: {  	[sflag:s7] =	ssyncadd.s32 $0xFFFFE000  }
0xb2: {  	_ =	swait.ge [sflag:s7], $0x2000  }
0xb3: {  	[sflag:s7] =	ssyncset.done $0x0  }
0xb4: {  	[sflag:s7] =	ssyncadd.s32 $0xFFFFE000  }
0xb5: {  	_ =	swait.ge [sflag:s7], $0x2000  }
0xb6: {  	[sflag:s7] =	ssyncset.done $0x0  }
0xb7: {  	[sflag:s7] =	ssyncadd.s32 $0xFFFFE000  }
0xb8: {  	_ =	swait.ge [sflag:s7], $0x2000  }
0xb9: {  	[sflag:s7] =	ssyncset.done $0x0  }
0xba: {  	[sflag:s7] =	ssyncadd.s32 $0xFFFFE000  }
0xbb: {  	_ =	swait.ge [sflag:s7], $0x2000  }
0xbc: {  	[sflag:s7] =	ssyncset.done $0x0  }
0xbd: {  	[sflag:s7] =	ssyncadd.s32 $0xFFFFE000  }
0xbe: {  	_ =	swait.ge [sflag:s7], $0x2000  }
0xbf: {  	[sflag:s7] =	ssyncset.done $0x0  }
0xc0: {  	[sflag:s7] =	ssyncadd.s32 $0xFFFFE000  }
0xc1: {  	_ =	swait.ge [sflag:s7], $0x2000  }
0xc2: {  	[sflag:s7] =	ssyncset.done $0x0  }
0xc3: {  	[sflag:s7] =	ssyncadd.s32 $0xFFFFE000  }
0xc4: {  	_ =	swait.ge [sflag:s7], $0x2000  }
0xc5: {  	[sflag:s7] =	ssyncset.done $0x0  }
0xc6: {  	[sflag:s7] =	ssyncadd.s32 $0xFFFFE000  }
0xc7: {  	_ =	swait.ge [sflag:s7], $0x800  }
0xc8: {  	[sflag:s7] =	ssyncset.done $0x0  }
0xc9: {  	s0 =	rddreg [dreg:$0x3];
	[sflag:s7] =	ssyncadd.s32 $0xFFFFF800  }
0xca: {  	[hbm4b:s0+s2] =	stream.linear.scatter [tilespmem:s5], [sflag:$0x2], $0x14800, $0x38;
	[tilespmem:$0x14D20] =	vst v63  }
0xcb: {  	_ =	swait.ge [sflag:s3], $0x14800  }
0xcc: {  	[sflag:s3] =	ssyncset.done $0x0  }
0xcd: {  	[sflag:s3] =	ssyncadd.s32 $0xFFFEB800  }
0xce: {  	[tilespmem:s2], [sflag:$0x2] =	stream.linear.gather [hbm4b:s9+s2], $0x520, $0x38;
	[tilespmem:$0x14D20] =	vst v63  }
0xcf: {  	_ =	swait.ge [sflag:s3], $0x520  }
0xd0: {  	[sflag:s3] =	ssyncset.done $0x0  }
0xd1: {  	[sflag:s3] =	ssyncadd.s32 $0xFFFFFAE0  }
0xd2: {  	[tilespmem:s5], [sflag:$0x1] =	stream.indirect.gather [hbm4b:s6+s8], $0x40, s2, s8, $0xb8;
	[tilespmem:$0x14D20] =	vst v63  }
0xd3: {  	_ = 	snop  }
0xd4: {  	[tilespmem:s10], [sflag:$0x1] =	stream.indirect.gather [hbm4b:s6+s8], $0x40, s8, s8, $0xb8;
	[tilespmem:$0x14D20] =	vst v63  }
0xd5: {  	_ = 	snop  }
0xd6: {  	[tilespmem:s12], [sflag:$0x1] =	stream.indirect.gather [hbm4b:s6+s8], $0x40, s11, s8, $0xb8;
	[tilespmem:$0x14D20] =	vst v63  }
0xd7: {  	_ = 	snop  }
0xd8: {  	[tilespmem:s14], [sflag:$0x1] =	stream.indirect.gather [hbm4b:s6+s8], $0x40, s13, s8, $0xb8;
	[tilespmem:$0x14D20] =	vst v63  }
0xd9: {  	_ = 	snop  }
0xda: {  	[tilespmem:s16], [sflag:$0x1] =	stream.indirect.gather [hbm4b:s6+s8], $0x40, s15, s8, $0xb8;
	[tilespmem:$0x14D20] =	vst v63  }
0xdb: {  	_ = 	snop  }
0xdc: {  	[tilespmem:s18], [sflag:$0x1] =	stream.indirect.gather [hbm4b:s6+s8], $0x40, s17, s8, $0xb8;
	[tilespmem:$0x14D20] =	vst v63  }
0xdd: {  	_ = 	snop  }
0xde: {  	[tilespmem:s20], [sflag:$0x1] =	stream.indirect.gather [hbm4b:s6+s8], $0x40, s19, s8, $0xb8;
	[tilespmem:$0x14D20] =	vst v63  }
0xdf: {  	_ = 	snop  }
0xe0: {  	[tilespmem:s22], [sflag:$0x1] =	stream.indirect.gather [hbm4b:s6+s8], $0x40, s21, s8, $0xb8;
	[tilespmem:$0x14D20] =	vst v63  }
0xe1: {  	_ = 	snop  }
0xe2: {  	[tilespmem:s24], [sflag:$0x1] =	stream.indirect.gather [hbm4b:s6+s8], $0x40, s23, s8, $0xb8;
	[tilespmem:$0x14D20] =	vst v63  }
0xe3: {  	_ = 	snop  }
0xe4: {  	[tilespmem:s26], [sflag:$0x1] =	stream.indirect.gather [hbm4b:s6+s8], $0x40, s25, s8, $0xb8;
	[tilespmem:$0x14D20] =	vst v63  }
0xe5: {  	_ = 	snop  }
0xe6: {  	[tilespmem:s30], [sflag:$0x1] =	stream.indirect.gather [hbm4b:s6+s28], $0x40, s29, s28, $0xb8;
	[tilespmem:$0x14D20] =	vst v63  }
0xe7: {  	_ =	swait.ge [sflag:s7], $0x2000  }
0xe8: {  	[sflag:s7] =	ssyncset.done $0x0  }
0xe9: {  	[sflag:s7] =	ssyncadd.s32 $0xFFFFE000  }
0xea: {  	_ =	swait.ge [sflag:s7], $0x2000  }
0xeb: {  	[sflag:s7] =	ssyncset.done $0x0  }
0xec: {  	[sflag:s7] =	ssyncadd.s32 $0xFFFFE000  }
0xed: {  	_ =	swait.ge [sflag:s7], $0x2000  }
0xee: {  	[sflag:s7] =	ssyncset.done $0x0  }
0xef: {  	[sflag:s7] =	ssyncadd.s32 $0xFFFFE000  }
0xf0: {  	_ =	swait.ge [sflag:s7], $0x2000  }
0xf1: {  	[sflag:s7] =	ssyncset.done $0x0  }
0xf2: {  	[sflag:s7] =	ssyncadd.s32 $0xFFFFE000  }
0xf3: {  	_ =	swait.ge [sflag:s7], $0x2000  }
0xf4: {  	[sflag:s7] =	ssyncset.done $0x0  }
0xf5: {  	[sflag:s7] =	ssyncadd.s32 $0xFFFFE000  }
0xf6: {  	_ =	swait.ge [sflag:s7], $0x2000  }
0xf7: {  	[sflag:s7] =	ssyncset.done $0x0  }
0xf8: {  	[sflag:s7] =	ssyncadd.s32 $0xFFFFE000  }
0xf9: {  	_ =	swait.ge [sflag:s7], $0x2000  }
0xfa: {  	[sflag:s7] =	ssyncset.done $0x0  }
0xfb: {  	[sflag:s7] =	ssyncadd.s32 $0xFFFFE000  }
0xfc: {  	_ =	swait.ge [sflag:s7], $0x2000  }
0xfd: {  	[sflag:s7] =	ssyncset.done $0x0  }
0xfe: {  	[sflag:s7] =	ssyncadd.s32 $0xFFFFE000  }
0xff: {  	_ =	swait.ge [sflag:s7], $0x2000  }
0x100: {  	[sflag:s7] =	ssyncset.done $0x0  }
0x101: {  	[sflag:s7] =	ssyncadd.s32 $0xFFFFE000  }
0x102: {  	_ =	swait.ge [sflag:s7], $0x2000  }
0x103: {  	[sflag:s7] =	ssyncset.done $0x0  }
0x104: {  	[sflag:s7] =	ssyncadd.s32 $0xFFFFE000  }
0x105: {  	p1 =	sne.s32 s1, $0x1;
	_ =	swait.ge [sflag:s7], $0x800  }
.Ltmp2:
0x106: {  	[sflag:s7] =	ssyncset.done $0x0;
	(pc) =	sbr.rel @p1 .LBB2_2-.Ltmp2, $4  }
0x107: {  	[sflag:s7] =	ssyncadd.s32 $0xFFFFF800  }
0x108: {  	[hbm4b:s4+s2] =	stream.linear.scatter [tilespmem:s5], [sflag:$0x2], $0x14800, $0x38;
	[tilespmem:$0x14D20] =	vst v63  }
0x109: {  	_ =	swait.ge [sflag:s3], $0x14800  }
0x10a: {  	s1 =	sadd.s32 $0xFFFFFFFF, s1;
	s0 =	rddreg [dreg:$0x2];
	[sflag:s3] =	ssyncset.done $0x0  }
.LBB2_3:
0x10b: {  	[sflag:s3] =	ssyncadd.s32 @p0 $0xFFFEB800  }
0x10c: {  	[tilespmem:s2], [sflag:$0x2] =	stream.linear.gather [hbm4b:s0+s2], $0x520, $0x38;
	[tilespmem:$0x14D20] =	vst v63  }
0x10d: {  	_ =	swait.ge [sflag:s3], $0x520  }
0x10e: {  	[sflag:s3] =	ssyncset.done $0x0  }
0x10f: {  	[sflag:s3] =	ssyncadd.s32 $0xFFFFFAE0  }
0x110: {  	[tilespmem:s5], [sflag:$0x1] =	stream.indirect.gather [hbm4b:s31+s8], $0x40, s2, s8, $0xb8;
	[tilespmem:$0x14D20] =	vst v63  }
0x111: {  	_ = 	snop  }
0x112: {  	[tilespmem:s10], [sflag:$0x1] =	stream.indirect.gather [hbm4b:s31+s8], $0x40, s8, s8, $0xb8;
	[tilespmem:$0x14D20] =	vst v63  }
0x113: {  	_ = 	snop  }
0x114: {  	[tilespmem:s12], [sflag:$0x1] =	stream.indirect.gather [hbm4b:s31+s8], $0x40, s11, s8, $0xb8;
	[tilespmem:$0x14D20] =	vst v63  }
0x115: {  	_ = 	snop  }
0x116: {  	[tilespmem:s14], [sflag:$0x1] =	stream.indirect.gather [hbm4b:s31+s8], $0x40, s13, s8, $0xb8;
	[tilespmem:$0x14D20] =	vst v63  }
0x117: {  	_ = 	snop  }
0x118: {  	[tilespmem:s16], [sflag:$0x1] =	stream.indirect.gather [hbm4b:s31+s8], $0x40, s15, s8, $0xb8;
	[tilespmem:$0x14D20] =	vst v63  }
0x119: {  	_ = 	snop  }
0x11a: {  	[tilespmem:s18], [sflag:$0x1] =	stream.indirect.gather [hbm4b:s31+s8], $0x40, s17, s8, $0xb8;
	[tilespmem:$0x14D20] =	vst v63  }
0x11b: {  	_ = 	snop  }
0x11c: {  	[tilespmem:s20], [sflag:$0x1] =	stream.indirect.gather [hbm4b:s31+s8], $0x40, s19, s8, $0xb8;
	[tilespmem:$0x14D20] =	vst v63  }
0x11d: {  	_ = 	snop  }
0x11e: {  	[tilespmem:s22], [sflag:$0x1] =	stream.indirect.gather [hbm4b:s31+s8], $0x40, s21, s8, $0xb8;
	[tilespmem:$0x14D20] =	vst v63  }
0x11f: {  	_ = 	snop  }
0x120: {  	[tilespmem:s24], [sflag:$0x1] =	stream.indirect.gather [hbm4b:s31+s8], $0x40, s23, s8, $0xb8;
	[tilespmem:$0x14D20] =	vst v63  }
0x121: {  	_ = 	snop  }
0x122: {  	[tilespmem:s26], [sflag:$0x1] =	stream.indirect.gather [hbm4b:s31+s8], $0x40, s25, s8, $0xb8;
	[tilespmem:$0x14D20] =	vst v63  }
0x123: {  	_ = 	snop  }
0x124: {  	[tilespmem:s30], [sflag:$0x1] =	stream.indirect.gather [hbm4b:s31+s28], $0x40, s29, s28, $0xb8;
	[tilespmem:$0x14D20] =	vst v63  }
0x125: {  	_ =	swait.ge [sflag:s7], $0x2000  }
0x126: {  	[sflag:s7] =	ssyncset.done $0x0  }
0x127: {  	[sflag:s7] =	ssyncadd.s32 $0xFFFFE000  }
0x128: {  	_ =	swait.ge [sflag:s7], $0x2000  }
0x129: {  	[sflag:s7] =	ssyncset.done $0x0  }
0x12a: {  	[sflag:s7] =	ssyncadd.s32 $0xFFFFE000  }
0x12b: {  	_ =	swait.ge [sflag:s7], $0x2000  }
0x12c: {  	[sflag:s7] =	ssyncset.done $0x0  }
0x12d: {  	[sflag:s7] =	ssyncadd.s32 $0xFFFFE000  }
0x12e: {  	_ =	swait.ge [sflag:s7], $0x2000  }
0x12f: {  	[sflag:s7] =	ssyncset.done $0x0  }
0x130: {  	[sflag:s7] =	ssyncadd.s32 $0xFFFFE000  }
0x131: {  	_ =	swait.ge [sflag:s7], $0x2000  }
0x132: {  	[sflag:s7] =	ssyncset.done $0x0  }
0x133: {  	[sflag:s7] =	ssyncadd.s32 $0xFFFFE000  }
0x134: {  	_ =	swait.ge [sflag:s7], $0x2000  }
0x135: {  	[sflag:s7] =	ssyncset.done $0x0  }
0x136: {  	[sflag:s7] =	ssyncadd.s32 $0xFFFFE000  }
0x137: {  	_ =	swait.ge [sflag:s7], $0x2000  }
0x138: {  	[sflag:s7] =	ssyncset.done $0x0  }
0x139: {  	[sflag:s7] =	ssyncadd.s32 $0xFFFFE000  }
0x13a: {  	_ =	swait.ge [sflag:s7], $0x2000  }
0x13b: {  	[sflag:s7] =	ssyncset.done $0x0  }
0x13c: {  	[sflag:s7] =	ssyncadd.s32 $0xFFFFE000  }
0x13d: {  	_ =	swait.ge [sflag:s7], $0x2000  }
0x13e: {  	[sflag:s7] =	ssyncset.done $0x0  }
0x13f: {  	[sflag:s7] =	ssyncadd.s32 $0xFFFFE000  }
0x140: {  	_ =	swait.ge [sflag:s7], $0x2000  }
0x141: {  	[sflag:s7] =	ssyncset.done $0x0  }
0x142: {  	[sflag:s7] =	ssyncadd.s32 $0xFFFFE000  }
0x143: {  	_ =	swait.ge [sflag:s7], $0x800  }
0x144: {  	[sflag:s7] =	ssyncset.done $0x0  }
0x145: {  	s1 =	rddreg [dreg:$0x3];
	[sflag:s7] =	ssyncadd.s32 $0xFFFFF800  }
0x146: {  	[hbm4b:s1+s2] =	stream.linear.scatter [tilespmem:s5], [sflag:$0x2], $0x14800, $0x38;
	[tilespmem:$0x14D20] =	vst v63  }
0x147: {  	_ =	swait.ge [sflag:s3], $0x14800  }
0x148: {  	[sflag:s3] =	ssyncset.done $0x0  }
0x149: {  	[sflag:s3] =	ssyncadd.s32 $0xFFFEB800  }
0x14a: {  	[tilespmem:s2], [sflag:$0x2] =	stream.linear.gather [hbm4b:s9+s2], $0x520, $0x38;
	[tilespmem:$0x14D20] =	vst v63  }
0x14b: {  	_ =	swait.ge [sflag:s3], $0x520  }
0x14c: {  	[sflag:s3] =	ssyncset.done $0x0  }
0x14d: {  	[sflag:s3] =	ssyncadd.s32 $0xFFFFFAE0  }
0x14e: {  	[tilespmem:s5], [sflag:$0x1] =	stream.indirect.gather [hbm4b:s6+s8], $0x40, s2, s8, $0xb8;
	[tilespmem:$0x14D20] =	vst v63  }
0x14f: {  	_ = 	snop  }
0x150: {  	[tilespmem:s10], [sflag:$0x1] =	stream.indirect.gather [hbm4b:s6+s8], $0x40, s8, s8, $0xb8;
	[tilespmem:$0x14D20] =	vst v63  }
0x151: {  	_ = 	snop  }
0x152: {  	[tilespmem:s12], [sflag:$0x1] =	stream.indirect.gather [hbm4b:s6+s8], $0x40, s11, s8, $0xb8;
	[tilespmem:$0x14D20] =	vst v63  }
0x153: {  	_ = 	snop  }
0x154: {  	[tilespmem:s14], [sflag:$0x1] =	stream.indirect.gather [hbm4b:s6+s8], $0x40, s13, s8, $0xb8;
	[tilespmem:$0x14D20] =	vst v63  }
0x155: {  	_ = 	snop  }
0x156: {  	[tilespmem:s16], [sflag:$0x1] =	stream.indirect.gather [hbm4b:s6+s8], $0x40, s15, s8, $0xb8;
	[tilespmem:$0x14D20] =	vst v63  }
0x157: {  	_ = 	snop  }
0x158: {  	[tilespmem:s18], [sflag:$0x1] =	stream.indirect.gather [hbm4b:s6+s8], $0x40, s17, s8, $0xb8;
	[tilespmem:$0x14D20] =	vst v63  }
0x159: {  	_ = 	snop  }
0x15a: {  	[tilespmem:s20], [sflag:$0x1] =	stream.indirect.gather [hbm4b:s6+s8], $0x40, s19, s8, $0xb8;
	[tilespmem:$0x14D20] =	vst v63  }
0x15b: {  	_ = 	snop  }
0x15c: {  	[tilespmem:s22], [sflag:$0x1] =	stream.indirect.gather [hbm4b:s6+s8], $0x40, s21, s8, $0xb8;
	[tilespmem:$0x14D20] =	vst v63  }
0x15d: {  	_ = 	snop  }
0x15e: {  	[tilespmem:s24], [sflag:$0x1] =	stream.indirect.gather [hbm4b:s6+s8], $0x40, s23, s8, $0xb8;
	[tilespmem:$0x14D20] =	vst v63  }
0x15f: {  	_ = 	snop  }
0x160: {  	[tilespmem:s26], [sflag:$0x1] =	stream.indirect.gather [hbm4b:s6+s8], $0x40, s25, s8, $0xb8;
	[tilespmem:$0x14D20] =	vst v63  }
0x161: {  	_ = 	snop  }
0x162: {  	[tilespmem:s30], [sflag:$0x1] =	stream.indirect.gather [hbm4b:s6+s28], $0x40, s29, s28, $0xb8;
	[tilespmem:$0x14D20] =	vst v63  }
0x163: {  	_ =	swait.ge [sflag:s7], $0x2000  }
0x164: {  	[sflag:s7] =	ssyncset.done $0x0  }
0x165: {  	[sflag:s7] =	ssyncadd.s32 $0xFFFFE000  }
0x166: {  	_ =	swait.ge [sflag:s7], $0x2000  }
0x167: {  	[sflag:s7] =	ssyncset.done $0x0  }
0x168: {  	[sflag:s7] =	ssyncadd.s32 $0xFFFFE000  }
0x169: {  	_ =	swait.ge [sflag:s7], $0x2000  }
0x16a: {  	[sflag:s7] =	ssyncset.done $0x0  }
0x16b: {  	[sflag:s7] =	ssyncadd.s32 $0xFFFFE000  }
0x16c: {  	_ =	swait.ge [sflag:s7], $0x2000  }
0x16d: {  	[sflag:s7] =	ssyncset.done $0x0  }
0x16e: {  	[sflag:s7] =	ssyncadd.s32 $0xFFFFE000  }
0x16f: {  	_ =	swait.ge [sflag:s7], $0x2000  }
0x170: {  	[sflag:s7] =	ssyncset.done $0x0  }
0x171: {  	[sflag:s7] =	ssyncadd.s32 $0xFFFFE000  }
0x172: {  	_ =	swait.ge [sflag:s7], $0x2000  }
0x173: {  	[sflag:s7] =	ssyncset.done $0x0  }
0x174: {  	[sflag:s7] =	ssyncadd.s32 $0xFFFFE000  }
0x175: {  	_ =	swait.ge [sflag:s7], $0x2000  }
0x176: {  	[sflag:s7] =	ssyncset.done $0x0  }
0x177: {  	[sflag:s7] =	ssyncadd.s32 $0xFFFFE000  }
0x178: {  	_ =	swait.ge [sflag:s7], $0x2000  }
0x179: {  	[sflag:s7] =	ssyncset.done $0x0  }
0x17a: {  	[sflag:s7] =	ssyncadd.s32 $0xFFFFE000  }
0x17b: {  	_ =	swait.ge [sflag:s7], $0x2000  }
0x17c: {  	[sflag:s7] =	ssyncset.done $0x0  }
0x17d: {  	[sflag:s7] =	ssyncadd.s32 $0xFFFFE000  }
0x17e: {  	_ =	swait.ge [sflag:s7], $0x2000  }
0x17f: {  	[sflag:s7] =	ssyncset.done $0x0  }
0x180: {  	[sflag:s7] =	ssyncadd.s32 $0xFFFFE000  }
0x181: {  	_ =	swait.ge [sflag:s7], $0x800  }
0x182: {  	[sflag:s7] =	ssyncset.done $0x0  }
0x183: {  	[sflag:s7] =	ssyncadd.s32 $0xFFFFF800  }
0x184: {  	[hbm4b:s4+s2] =	stream.linear.scatter [tilespmem:s5], [sflag:$0x2], $0x14800, $0x38;
	[tilespmem:$0x14D20] =	vst v63  }
0x185: {  	_ =	swait.ge [sflag:s3], $0x14800  }
0x186: {  	[sflag:s3] =	ssyncset.done $0x0  }
0x187: {  	[sflag:s3] =	ssyncadd.s32 $0xFFFEB800  }
0x188: {  	_ =	sfence.sel $0x180000  }
0x189: {  	[bflag:$0x0] =	sbarrier.arrive $0xFFFF  }
0x18a: {  	_ =	strace $0x90000047  }
0x18b: {  	s31 =	stileid.u32;
	[bflag:$0x2] =	sbarrier.arrive $0xFFFF  }
0x18c: {  	p0 =	sne.s32 s31, $0x0;
	s0 =	rddreg [dreg:$0x1]  }
0x18d: {  	s0 =	sadd.s32 @!p0 $0x100000, s0  }
0x18e: {  	[sflag:s0] =	ssyncadd.tile.s32 @!p0 $0x1;
	_ =	shalt  }
.Lfunc_end2:
_tile_overlayer_lowered:
.L_overlay_start_2:
0x18f: {  	(tag) =	ssettag $0x2  }
0x190: {  	s0 =	rddreg [dreg:$0x0];
	s2 =	stileid.u32  }
0x191: {  	s1 =	rddreg [dreg:$0x1];
	p0 =	sne.s32 s2, $0x0  }
0x192: {  	s3 =	rddreg [dreg:$0x2];
	[bflag:$0x3] =	sbarrier.arrive $0xFFFF;
	s2 =	simm.s32 @!p0 $0x1C02  }
0x193: {  	[timem:s3], [sflag:s2] =	dma.local @!p0 [hbm:s0], s1  }
0x194: {  	s0 =	simm.s32 @!p0 $0x2  }
0x195: {  	_ =	swait.ge @!p0 [sflag:s0], s1  }
0x196: {  	s1 =	ssub.s32 @!p0 $0x0, s1;
	[sflag:s0] =	ssyncset.done @!p0 $0x0  }
0x197: {  	[sflag:s0] =	ssyncadd.s32 @!p0 s1  }
0x198: {  	[bflag:$0x3] =	sbarrier.arrive $0xFFFF  }
0x199: {  	_ =	shalt  }

</sc_bundles>
